<compile_context>
chip_gen: v7x
topology: tpu7x:2x2x1
jax: 0.10.2.dev20260603
libtpu: 0.0.44.dev20260713+nightly
codegen_flags: <defaults>
</compile_context>

<pallas_src>
import functools

import jax
import jax.numpy as jnp
from jax import lax
from jax.experimental import pallas as pl
from jax.experimental.pallas import tpu as pltpu
from jax.experimental.pallas import tpu_sc as plsc

NRAYS = 16384
NSAMP = 524288
HID = 64

NWORK = 32
PER_W = NSAMP // NWORK
SCH = 2048
NSTR = PER_W // SCH

CB = 4096
GRID_B = NSAMP // CB


def _gather_body(table_ref, idx_ref, out_ref, idx_v, rows_v, sems):
    c = lax.axis_index("c")
    s = lax.axis_index("s")
    wid = c * 16 + s
    base = wid * PER_W
    pltpu.sync_copy(idx_ref.at[pl.ds(base, PER_W)], idx_v)

    pltpu.async_copy(table_ref.at[idx_v.at[pl.ds(0, SCH)]],
                     rows_v.at[0], sems.at[0])

    def step(j, carry):
        b = j % 2
        nb = (j + 1) % 2

        @pl.when(j + 1 < NSTR)
        def _():
            pltpu.async_copy(
                table_ref.at[idx_v.at[pl.ds((j + 1) * SCH, SCH)]],
                rows_v.at[nb], sems.at[nb])

        pltpu.make_async_copy(
            table_ref.at[idx_v.at[pl.ds(j * SCH, SCH)]],
            rows_v.at[b], sems.at[b]).wait()
        pltpu.sync_copy(rows_v.at[b], out_ref.at[pl.ds(base + j * SCH, SCH)])
        return carry

    lax.fori_loop(0, NSTR, step, 0)


@functools.cache
def _make_gather():
    return pl.kernel(
        _gather_body,
        out_type=jax.ShapeDtypeStruct((NSAMP, 8), jnp.float32),
        mesh=plsc.VectorSubcoreMesh(core_axis_name="c", subcore_axis_name="s"),
        scratch_types=[
            pltpu.VMEM((PER_W,), jnp.int32),
            pltpu.VMEM((2, SCH, 8), jnp.float32),
            pltpu.SemaphoreType.DMA((2,)),
        ],
        compiler_params=pltpu.CompilerParams(use_tc_tiling_on_sc=False),
    )


def _scatter_body(vals_ref, idx_ref, zeros_ref, out_ref, idx_v, vals_v, accum,
                  sems):
    c = lax.axis_index("c")
    s = lax.axis_index("s")
    wid = c * 16 + s
    base = wid * PER_W

    @pl.when(s == 0)
    def _():
        pltpu.sync_copy(zeros_ref, accum)

    plsc.subcore_barrier()
    pltpu.sync_copy(idx_ref.at[pl.ds(base, PER_W)], idx_v)

    def step(j, carry):
        b = j % 2

        @pl.when(j >= 2)
        def _():
            pltpu.make_async_copy(
                vals_v.at[b],
                accum.at[idx_v.at[pl.ds((j - 2) * SCH, SCH)]],
                sems.at[b]).wait()

        pltpu.sync_copy(vals_ref.at[pl.ds(base + j * SCH, SCH)], vals_v.at[b])
        pltpu.async_copy(vals_v.at[b],
                         accum.at[idx_v.at[pl.ds(j * SCH, SCH)]],
                         sems.at[b], add=True)
        return carry

    lax.fori_loop(0, NSTR, step, 0)
    for j in (NSTR - 2, NSTR - 1):
        pltpu.make_async_copy(
            vals_v.at[j % 2],
            accum.at[idx_v.at[pl.ds(j * SCH, SCH)]],
            sems.at[j % 2]).wait()
    plsc.subcore_barrier()
    rpt = NRAYS // 16
    pltpu.sync_copy(accum.at[pl.ds(s * rpt, rpt)], out_ref.at[c, pl.ds(s * rpt, rpt)])


@functools.cache
def _make_scatter():
    return pl.kernel(
        _scatter_body,
        out_type=jax.ShapeDtypeStruct((2, NRAYS, 8), jnp.float32),
        mesh=plsc.VectorSubcoreMesh(core_axis_name="c", subcore_axis_name="s"),
        scratch_types=[
            pltpu.VMEM((PER_W,), jnp.int32),
            pltpu.VMEM((2, SCH, 8), jnp.float32),
            pltpu.VMEM_SHARED((NRAYS, 8), jnp.float32),
            pltpu.SemaphoreType.DMA((2,)),
        ],
        compiler_params=pltpu.CompilerParams(use_tc_tiling_on_sc=False),
    )


def _main_body(samT, dirs, depT, delT, ridxT, w1t, b1c, w2t, b2c,
               out_ref, ce_ref, cm_ref, cr_ref):
    pid = pl.program_id(0)

    @pl.when(pid == 0)
    def _():
        ce_ref[0, 0] = 0.0
        cm_ref[0, 0] = 0.0
        cr_ref[0, 0] = -1

    carry_e = ce_ref[0, 0]
    carry_m = cm_ref[0, 0]
    carry_r = cr_ref[0, 0]

    dT = dirs[...].T
    feat = jnp.concatenate([samT[...], dT[:3]], axis=0)
    h = lax.dot_general(w1t[...], feat, (((1,), (0,)), ((), ())),
                        preferred_element_type=jnp.float32) + b1c[...]
    h = jnp.maximum(h, 0.0)
    o = lax.dot_general(w2t[...], h, (((1,), (0,)), ((), ())),
                        preferred_element_type=jnp.float32) + b2c[...]
    color = 1.0 / (1.0 + jnp.exp(-o[:3]))
    x = o[3:4]
    sp = jnp.maximum(x, 0.0) + jnp.log(1.0 + jnp.exp(-jnp.abs(x)))
    tau = sp * delT[...]

    lanes = lax.broadcasted_iota(jnp.int32, (1, CB), 1)

    inc = tau
    d = 1
    while d < CB:
        sh = pltpu.roll(inc, d, 1)
        inc = inc + jnp.where(lanes >= d, sh, 0.0)
        d *= 2

    e_excl = (carry_e + inc) - tau

    rr = ridxT[...]
    rprev = pltpu.roll(rr, 1, 1)
    rprev = jnp.where(lanes == 0, carry_r, rprev)
    bnd = rr != rprev
    be = jnp.where(bnd, e_excl, 0.0)
    m = be
    d = 1
    while d < CB:
        sh = pltpu.roll(m, d, 1)
        m = jnp.maximum(m, jnp.where(lanes >= d, sh, 0.0))
        d *= 2
    m = jnp.maximum(m, carry_m)

    excl = e_excl - m
    w = jnp.exp(-excl) - jnp.exp(-(excl + tau))

    valsT = jnp.concatenate(
        [color * w, depT[...] * w, w, jnp.zeros((3, CB), jnp.float32)], axis=0)
    out_ref[...] = valsT.T

    lastm = lanes == (CB - 1)
    ce_ref[0, 0] = carry_e + jnp.sum(jnp.where(lastm, inc, 0.0))
    cm_ref[0, 0] = jnp.sum(jnp.where(lastm, m, 0.0))
    cr_ref[0, 0] = jnp.sum(jnp.where(lastm, rr, 0))


_main = pl.pallas_call(
    _main_body,
    grid=(GRID_B,),
    in_specs=[
        pl.BlockSpec((3, CB), lambda i: (0, i)),
        pl.BlockSpec((CB, 8), lambda i: (i, 0)),
        pl.BlockSpec((1, CB), lambda i: (0, i)),
        pl.BlockSpec((1, CB), lambda i: (0, i)),
        pl.BlockSpec((1, CB), lambda i: (0, i)),
        pl.BlockSpec((HID, 6), lambda i: (0, 0)),
        pl.BlockSpec((HID, 1), lambda i: (0, 0)),
        pl.BlockSpec((4, HID), lambda i: (0, 0)),
        pl.BlockSpec((4, 1), lambda i: (0, 0)),
    ],
    out_specs=pl.BlockSpec((CB, 8), lambda i: (i, 0)),
    out_shape=jax.ShapeDtypeStruct((NSAMP, 8), jnp.float32),
    scratch_shapes=[
        pltpu.SMEM((1, 1), jnp.float32),
        pltpu.SMEM((1, 1), jnp.float32),
        pltpu.SMEM((1, 1), jnp.int32),
    ],
)


def _compose_body(p0, p1, rgb_ref, dep_ref, alp_ref, hit_ref):
    S = p0[...] + p1[...]
    alpha = S[:, 4:5]
    rgb_ref[...] = (1.0 - alpha) + alpha * S[:, 0:3]
    dep_ref[...] = S[:, 3:4]
    alp_ref[...] = alpha
    hit_ref[...] = (alpha > 0.0).astype(jnp.int32)


RB = 2048
_compose = pl.pallas_call(
    _compose_body,
    grid=(NRAYS // RB,),
    in_specs=[
        pl.BlockSpec((RB, 8), lambda i: (i, 0)),
        pl.BlockSpec((RB, 8), lambda i: (i, 0)),
    ],
    out_specs=(
        pl.BlockSpec((RB, 3), lambda i: (i, 0)),
        pl.BlockSpec((RB, 1), lambda i: (i, 0)),
        pl.BlockSpec((RB, 1), lambda i: (i, 0)),
        pl.BlockSpec((RB, 1), lambda i: (i, 0)),
    ),
    out_shape=(
        jax.ShapeDtypeStruct((NRAYS, 3), jnp.float32),
        jax.ShapeDtypeStruct((NRAYS, 1), jnp.float32),
        jax.ShapeDtypeStruct((NRAYS, 1), jnp.float32),
        jax.ShapeDtypeStruct((NRAYS, 1), jnp.int32),
    ),
)


def kernel(rays_origins, rays_dirs, ridx, samples, depths, deltas, W1, b1, W2, b2):
    del rays_origins
    ridx32 = ridx.astype(jnp.int32)
    table = jnp.concatenate(
        [rays_dirs, jnp.zeros((NRAYS, 5), jnp.float32)], axis=1)
    dirs8 = _make_gather()(table, ridx32)

    vals = _main(samples.T, dirs8, depths.reshape(1, NSAMP), deltas.reshape(1, NSAMP),
                 ridx32.reshape(1, NSAMP), W1.T,
                 b1.reshape(HID, 1), W2.T, b2.reshape(4, 1))

    zer = jnp.zeros((NRAYS, 8), jnp.float32)
    parts = _make_scatter()(vals, ridx32, zer)

    rgb, dep, alp, hit32 = _compose(parts[0], parts[1])
    return (rgb, dep, alp, hit32[:, 0] != 0)

# --- scband reference (transcript-rebuilt; emitter-appended) ---
"""Pipeline reference for scband-packed-rftracer-91328184582334 (READ-ONLY COPY).

The authoritative reference and input builder live on the scoring server;
editing this copy changes nothing except your own understanding.
"""

import jax, jax.numpy as jnp
import numpy as np

N_RAYS = 16384
TOTAL = 524288
HIDDEN = 64


def setup_inputs(seed: int = 0) -> dict:
    key = jax.random.key(seed)
    ks = jax.random.split(key, 10)
    rays_origins = jax.random.normal(ks[0], (N_RAYS, 3), dtype=jnp.float32)
    rays_dirs = jax.random.normal(ks[1], (N_RAYS, 3), dtype=jnp.float32)
    rays_dirs = rays_dirs / (jnp.linalg.norm(rays_dirs, axis=-1, keepdims=True) + 1e-8)
    # packed ray-march output: sorted ray indices define ragged packs
    ridx = jnp.sort(jax.random.randint(ks[2], (TOTAL,), 0, N_RAYS)).astype(jnp.int64)
    samples = jax.random.normal(ks[3], (TOTAL, 3), dtype=jnp.float32)
    depths = jax.random.uniform(ks[4], (TOTAL, 1), dtype=jnp.float32)
    deltas = jax.random.uniform(ks[5], (TOTAL, 1), dtype=jnp.float32) * 0.01
    # NeF parameters (small MLP: coords+dirs -> rgb(3) + density(1))
    W1 = jax.random.normal(ks[6], (6, HIDDEN), dtype=jnp.float32) * 0.3
    b1 = jnp.zeros((HIDDEN,), dtype=jnp.float32)
    W2 = jax.random.normal(ks[7], (HIDDEN, 4), dtype=jnp.float32) * 0.3
    b2 = jnp.zeros((4,), dtype=jnp.float32)
    return {"rays_origins": rays_origins, "rays_dirs": rays_dirs, "ridx": ridx,
            "samples": samples, "depths": depths, "deltas": deltas,
            "W1": W1, "b1": b1, "W2": W2, "b2": b2}


def reference(rays_origins, rays_dirs, ridx, samples, depths, deltas, W1, b1, W2, b2):
    n_rays = rays_origins.shape[0]
    # nef(coords=samples, rays_d=rays.dirs.index_select(0, ridx))
    dirs = jnp.take(rays_dirs, ridx, axis=0)  # gather per-sample ray dirs
    feat = jnp.concatenate([samples, dirs], axis=-1)
    h = jax.nn.relu(feat @ W1 + b1)
    out = h @ W2 + b2
    color = jax.nn.sigmoid(out[:, :3])
    density = jax.nn.softplus(out[:, 3])
    # tau = density * deltas
    tau = density[:, None] * deltas  # [TOTAL, 1]
    tau_f = tau[:, 0]
    # mark_pack_boundaries
    boundary = jnp.concatenate([jnp.ones((1,), dtype=bool), ridx[1:] != ridx[:-1]])
    # exponential_integration (exclusive): per-pack exclusive cumsum of tau
    c = jnp.cumsum(tau_f)
    e = c - tau_f  # global exclusive cumsum
    seg_offset = jax.ops.segment_sum(e * boundary.astype(e.dtype), ridx, num_segments=n_rays)
    excl = e - jnp.take(seg_offset, ridx)
    T = jnp.exp(-excl)
    w = T * (1.0 - jnp.exp(-tau_f))  # per-sample transmittance weights
    ray_colors = jax.ops.segment_sum(w[:, None] * color, ridx, num_segments=n_rays)
    # sum_reduce(depths * transmittance)
    ray_depth = jax.ops.segment_sum(w[:, None] * depths, ridx, num_segments=n_rays)
    alpha = jax.ops.segment_sum(w, ridx, num_segments=n_rays)[:, None]
    hit = alpha[:, 0] > 0.0
    # bg_color == 'white': color = (1 - alpha) * bg + alpha * ray_colors; empty rays stay white
    rgb = (1.0 - alpha) * jnp.ones((n_rays, 3), dtype=jnp.float32) + alpha * ray_colors
    depth = ray_depth
    return (rgb, depth, alpha, hit)

if __name__ == "__main__":
    import jax
    _d = setup_inputs()
    print(jax.jit(kernel)(*tuple(_d.values())))

</pallas_src>

<mosaic_0001>
#map = affine_map<(d0, d1) -> (0, 0)>
#map1 = affine_map<(d0, d1) -> (0)>
#map2 = affine_map<(d0, d1) -> (0, 0, 0)>
module attributes {stable_mosaic.version = 14 : i64} {
  func.func @_scatter_body(%arg0: i32, %arg1: i32, %arg2: memref<524288x8xf32, #tpu.memory_space<hbm>>, %arg3: memref<524288xi32, #tpu.memory_space<hbm>>, %arg4: memref<16384x8xf32, #tpu.memory_space<hbm>>, %arg5: memref<2x16384x8xf32, #tpu.memory_space<hbm>>, %arg6: memref<16384xi32, #tpu.memory_space<vmem>>, %arg7: memref<2x2048x8xf32, #tpu.memory_space<vmem>>, %arg8: memref<16384x8xf32, #tpu.memory_space<vmem_shared>>, %arg9: memref<2x!tpu.dma_semaphore, #tpu.memory_space<semaphore_mem>>) attributes {dimension_semantics = [#tpu.dimension_semantics<core_parallel>, #tpu.dimension_semantics<subcore_parallel>], iteration_bounds = array<i64: 2, 16>, scalar_prefetch = 0 : i64, scratch_operands = 4 : i64, tpu.core_type = #tpu.core_type<sc_vector_subcore>, window_params = [{transform_indices = #map}, {transform_indices = #map1}, {transform_indices = #map}, {transform_indices = #map2}]} {
    %mul3A = arith.constant 16 : i32
    %mul3A_0 = arith.muli %arg0, %mul3A : i32
    %add3A = arith.addi %mul3A_0, %arg1 : i32
    %mul3A_1 = arith.constant 16384 : i32
    %mul3A_2 = arith.muli %add3A, %mul3A_1 : i32
    %eq3A = arith.constant 0 : i32
    %eq3A_3 = arith.cmpi eq, %arg1, %eq3A : i32
    %convert_element_type3A = arith.extui %eq3A_3 : i1 to i32
    %cond3A = arith.constant 0 : i32
    %cond3A_4 = arith.cmpi ne, %convert_element_type3A, %cond3A : i32
    scf.if %cond3A_4 {
      "tpu.region"() ({
        %run_scoped3A = tpu.sem_alloc : memref<!tpu.dma_semaphore, #tpu.memory_space<semaphore_mem>>
        tpu.enqueue_dma source(%arg4 : memref<16384x8xf32, #tpu.memory_space<hbm>>) target(%arg8 : memref<16384x8xf32, #tpu.memory_space<vmem_shared>>) target_semaphore(%run_scoped3A : memref<!tpu.dma_semaphore, #tpu.memory_space<semaphore_mem>>)
        tpu.wait_dma2 semaphore(%run_scoped3A : memref<!tpu.dma_semaphore, #tpu.memory_space<semaphore_mem>>) src(%arg4 : memref<16384x8xf32, #tpu.memory_space<hbm>>) dst(%arg8 : memref<16384x8xf32, #tpu.memory_space<vmem_shared>>)
        tpu.yield
      }) : () -> ()
    } else {
    }
    %barrier3A = arith.constant 0 : index
    tpu.barrier barrier_id(%barrier3A)
    "tpu.region"() ({
      %run_scoped3A = tpu.sem_alloc : memref<!tpu.dma_semaphore, #tpu.memory_space<semaphore_mem>>
      %dma_start3A = tpu.memref_slice %arg3[%mul3A_2] : memref<524288xi32, #tpu.memory_space<hbm>> -> memref<16384xi32, #tpu.memory_space<hbm>>
      %dma_start3A_40 = tpu.memref_slice %arg3[%mul3A_2] : memref<524288xi32, #tpu.memory_space<hbm>> -> memref<16384xi32, #tpu.memory_space<hbm>>
      tpu.enqueue_dma source(%dma_start3A_40 : memref<16384xi32, #tpu.memory_space<hbm>>) target(%arg6 : memref<16384xi32, #tpu.memory_space<vmem>>) target_semaphore(%run_scoped3A : memref<!tpu.dma_semaphore, #tpu.memory_space<semaphore_mem>>)
      %dma_wait3A_41 = tpu.memref_slice %arg3[%mul3A_2] : memref<524288xi32, #tpu.memory_space<hbm>> -> memref<16384xi32, #tpu.memory_space<hbm>>
      %dma_wait3A_42 = tpu.memref_slice %arg3[%mul3A_2] : memref<524288xi32, #tpu.memory_space<hbm>> -> memref<16384xi32, #tpu.memory_space<hbm>>
      tpu.wait_dma2 semaphore(%run_scoped3A : memref<!tpu.dma_semaphore, #tpu.memory_space<semaphore_mem>>) src(%dma_wait3A_42 : memref<16384xi32, #tpu.memory_space<hbm>>) dst(%arg6 : memref<16384xi32, #tpu.memory_space<vmem>>)
      tpu.yield
    }) : () -> ()
    %scan3A = arith.constant 0 : i32
    %scan3A_5 = arith.constant 0 : i32
    %scan3A_6 = arith.constant 8 : i32
    %scan3A_7 = arith.addi %scan3A_5, %scan3A_6 : i32
    %scan3A_8 = arith.constant 1 : i32
    scf.for %scan3A_40 = %scan3A_5 to %scan3A_7 step %scan3A_8  : i32 {
      %jit3A = arith.constant 2 : i32
      %eq3A_41 = arith.constant 0 : i32
      %eq3A_42 = arith.cmpi eq, %jit3A, %eq3A_41 : i32
      %jit3A_43 = arith.constant 1 : i32
      %select_n3A = arith.select %eq3A_42, %jit3A_43, %jit3A : i32
      %rem3A = arith.remsi %scan3A_40, %select_n3A : i32
      %ne3A = arith.constant 0 : i32
      %ne3A_44 = arith.cmpi ne, %rem3A, %ne3A : i32
      %lt3A = arith.constant 0 : i32
      %lt3A_45 = arith.cmpi slt, %rem3A, %lt3A : i32
      %lt3A_46 = arith.constant 0 : i32
      %lt3A_47 = arith.cmpi slt, %select_n3A, %lt3A_46 : i32
      %ne3A_48 = arith.xori %lt3A_45, %lt3A_47 : i1
      %and3A = arith.andi %ne3A_48, %ne3A_44 : i1
      %add3A_49 = arith.addi %rem3A, %select_n3A : i32
      %select_n3A_50 = arith.select %and3A, %add3A_49, %rem3A : i32
      %ge3A = arith.constant 2 : i32
      %ge3A_51 = arith.cmpi sge, %scan3A_40, %ge3A : i32
      %convert_element_type3A_52 = arith.extui %ge3A_51 : i1 to i32
      %cond3A_53 = arith.constant 0 : i32
      %cond3A_54 = arith.cmpi ne, %convert_element_type3A_52, %cond3A_53 : i32
      scf.if %cond3A_54 {
        %sub3A = arith.constant 2 : i32
        %sub3A_69 = arith.subi %scan3A_40, %sub3A : i32
        %mul3A_70 = arith.constant 2048 : i32
        %mul3A_71 = arith.muli %sub3A_69, %mul3A_70 : i32
        %dma_wait3A_72 = arith.constant 0 : i32
        %dma_wait3A_73 = arith.constant 0 : i32
        %dma_wait3A_74 = tpu.memref_slice %arg7[%select_n3A_50, %dma_wait3A_72, %dma_wait3A_73] : memref<2x2048x8xf32, #tpu.memory_space<vmem>> -> memref<1x2048x8xf32, #tpu.memory_space<vmem>>
        %dma_wait3A_75 = tpu.memref_squeeze %dma_wait3A_74 : memref<1x2048x8xf32, #tpu.memory_space<vmem>> -> memref<2048x8xf32, #tpu.memory_space<vmem>>
        %dma_wait3A_76 = tpu.memref_slice %arg6[%mul3A_71] : memref<16384xi32, #tpu.memory_space<vmem>> -> memref<2048xi32, #tpu.memory_space<vmem>>
        %dma_wait3A_77 = arith.constant 0 : i32
        %dma_wait3A_78 = arith.constant 0 : i32
        %dma_wait3A_79 = tpu.memref_slice %arg8[%dma_wait3A_77, %dma_wait3A_78] : memref<16384x8xf32, #tpu.memory_space<vmem_shared>> -> memref<16384x8xf32, #tpu.memory_space<vmem_shared>>
        %dma_wait3A_80 = tpu.memref_slice %arg9[%select_n3A_50] : memref<2x!tpu.dma_semaphore, #tpu.memory_space<semaphore_mem>> -> memref<1x!tpu.dma_semaphore, #tpu.memory_space<semaphore_mem>>
        %dma_wait3A_81 = tpu.memref_squeeze %dma_wait3A_80 : memref<1x!tpu.dma_semaphore, #tpu.memory_space<semaphore_mem>> -> memref<!tpu.dma_semaphore, #tpu.memory_space<semaphore_mem>>
        tpu.wait_indirect_dma semaphore(%dma_wait3A_81 : memref<!tpu.dma_semaphore, #tpu.memory_space<semaphore_mem>>) src(%dma_wait3A_75 : memref<2048x8xf32, #tpu.memory_space<vmem>>) dst(%dma_wait3A_79 : memref<16384x8xf32, #tpu.memory_space<vmem_shared>>)
      } else {
      }
      %mul3A_55 = arith.constant 2048 : i32
      %mul3A_56 = arith.muli %scan3A_40, %mul3A_55 : i32
      %add3A_57 = arith.addi %mul3A_2, %mul3A_56 : i32
      "tpu.region"() ({
        %run_scoped3A = tpu.sem_alloc : memref<!tpu.dma_semaphore, #tpu.memory_space<semaphore_mem>>
        %dma_start3A_69 = arith.constant 0 : i32
        %dma_start3A_70 = arith.constant 0 : i32
        %dma_start3A_71 = tpu.memref_slice %arg7[%select_n3A_50, %dma_start3A_69, %dma_start3A_70] : memref<2x2048x8xf32, #tpu.memory_space<vmem>> -> memref<1x2048x8xf32, #tpu.memory_space<vmem>>
        %dma_start3A_72 = tpu.memref_squeeze %dma_start3A_71 : memref<1x2048x8xf32, #tpu.memory_space<vmem>> -> memref<2048x8xf32, #tpu.memory_space<vmem>>
        %dma_start3A_73 = arith.constant 0 : i32
        %dma_start3A_74 = tpu.memref_slice %arg2[%add3A_57, %dma_start3A_73] : memref<524288x8xf32, #tpu.memory_space<hbm>> -> memref<2048x8xf32, #tpu.memory_space<hbm>>
        %dma_start3A_75 = arith.constant 0 : i32
        %dma_start3A_76 = arith.constant 0 : i32
        %dma_start3A_77 = tpu.memref_slice %arg7[%select_n3A_50, %dma_start3A_75, %dma_start3A_76] : memref<2x2048x8xf32, #tpu.memory_space<vmem>> -> memref<1x2048x8xf32, #tpu.memory_space<vmem>>
        %dma_start3A_78 = tpu.memref_squeeze %dma_start3A_77 : memref<1x2048x8xf32, #tpu.memory_space<vmem>> -> memref<2048x8xf32, #tpu.memory_space<vmem>>
        %dma_start3A_79 = arith.constant 0 : i32
        %dma_start3A_80 = tpu.memref_slice %arg2[%add3A_57, %dma_start3A_79] : memref<524288x8xf32, #tpu.memory_space<hbm>> -> memref<2048x8xf32, #tpu.memory_space<hbm>>
        tpu.enqueue_dma source(%dma_start3A_80 : memref<2048x8xf32, #tpu.memory_space<hbm>>) target(%dma_start3A_78 : memref<2048x8xf32, #tpu.memory_space<vmem>>) target_semaphore(%run_scoped3A : memref<!tpu.dma_semaphore, #tpu.memory_space<semaphore_mem>>)
        %dma_wait3A_81 = arith.constant 0 : i32
        %dma_wait3A_82 = arith.constant 0 : i32
        %dma_wait3A_83 = tpu.memref_slice %arg7[%select_n3A_50, %dma_wait3A_81, %dma_wait3A_82] : memref<2x2048x8xf32, #tpu.memory_space<vmem>> -> memref<1x2048x8xf32, #tpu.memory_space<vmem>>
        %dma_wait3A_84 = tpu.memref_squeeze %dma_wait3A_83 : memref<1x2048x8xf32, #tpu.memory_space<vmem>> -> memref<2048x8xf32, #tpu.memory_space<vmem>>
        %dma_wait3A_85 = arith.constant 0 : i32
        %dma_wait3A_86 = tpu.memref_slice %arg2[%add3A_57, %dma_wait3A_85] : memref<524288x8xf32, #tpu.memory_space<hbm>> -> memref<2048x8xf32, #tpu.memory_space<hbm>>
        %dma_wait3A_87 = arith.constant 0 : i32
        %dma_wait3A_88 = arith.constant 0 : i32
        %dma_wait3A_89 = tpu.memref_slice %arg7[%select_n3A_50, %dma_wait3A_87, %dma_wait3A_88] : memref<2x2048x8xf32, #tpu.memory_space<vmem>> -> memref<1x2048x8xf32, #tpu.memory_space<vmem>>
        %dma_wait3A_90 = tpu.memref_squeeze %dma_wait3A_89 : memref<1x2048x8xf32, #tpu.memory_space<vmem>> -> memref<2048x8xf32, #tpu.memory_space<vmem>>
        %dma_wait3A_91 = arith.constant 0 : i32
        %dma_wait3A_92 = tpu.memref_slice %arg2[%add3A_57, %dma_wait3A_91] : memref<524288x8xf32, #tpu.memory_space<hbm>> -> memref<2048x8xf32, #tpu.memory_space<hbm>>
        tpu.wait_dma2 semaphore(%run_scoped3A : memref<!tpu.dma_semaphore, #tpu.memory_space<semaphore_mem>>) src(%dma_wait3A_92 : memref<2048x8xf32, #tpu.memory_space<hbm>>) dst(%dma_wait3A_90 : memref<2048x8xf32, #tpu.memory_space<vmem>>)
        tpu.yield
      }) : () -> ()
      %mul3A_58 = arith.constant 2048 : i32
      %mul3A_59 = arith.muli %scan3A_40, %mul3A_58 : i32
      %dma_start3A = arith.constant 0 : i32
      %dma_start3A_60 = arith.constant 0 : i32
      %dma_start3A_61 = tpu.memref_slice %arg7[%select_n3A_50, %dma_start3A, %dma_start3A_60] : memref<2x2048x8xf32, #tpu.memory_space<vmem>> -> memref<1x2048x8xf32, #tpu.memory_space<vmem>>
      %dma_start3A_62 = tpu.memref_squeeze %dma_start3A_61 : memref<1x2048x8xf32, #tpu.memory_space<vmem>> -> memref<2048x8xf32, #tpu.memory_space<vmem>>
      %dma_start3A_63 = tpu.memref_slice %arg6[%mul3A_59] : memref<16384xi32, #tpu.memory_space<vmem>> -> memref<2048xi32, #tpu.memory_space<vmem>>
      %dma_start3A_64 = arith.constant 0 : i32
      %dma_start3A_65 = arith.constant 0 : i32
      %dma_start3A_66 = tpu.memref_slice %arg8[%dma_start3A_64, %dma_start3A_65] : memref<16384x8xf32, #tpu.memory_space<vmem_shared>> -> memref<16384x8xf32, #tpu.memory_space<vmem_shared>>
      %dma_start3A_67 = tpu.memref_slice %arg9[%select_n3A_50] : memref<2x!tpu.dma_semaphore, #tpu.memory_space<semaphore_mem>> -> memref<1x!tpu.dma_semaphore, #tpu.memory_space<semaphore_mem>>
      %dma_start3A_68 = tpu.memref_squeeze %dma_start3A_67 : memref<1x!tpu.dma_semaphore, #tpu.memory_space<semaphore_mem>> -> memref<!tpu.dma_semaphore, #tpu.memory_space<semaphore_mem>>
      tpu.enqueue_indirect_dma source(%dma_start3A_62 : memref<2048x8xf32, #tpu.memory_space<vmem>>) target(%dma_start3A_66 : memref<16384x8xf32, #tpu.memory_space<vmem_shared>>) offsets(%dma_start3A_63 : memref<2048xi32, #tpu.memory_space<vmem>>) semaphore(%dma_start3A_68 : memref<!tpu.dma_semaphore, #tpu.memory_space<semaphore_mem>>) {add = true}
    }
    %scan3A_9 = arith.constant 8 : i32
    %dma_wait3A = arith.constant 0 : i32
    %dma_wait3A_10 = arith.constant 0 : i32
    %dma_wait3A_11 = arith.constant 0 : i32
    %dma_wait3A_12 = arith.constant 0 : i32
    %dma_wait3A_13 = tpu.memref_slice %arg7[%dma_wait3A, %dma_wait3A_11, %dma_wait3A_12] : memref<2x2048x8xf32, #tpu.memory_space<vmem>> -> memref<1x2048x8xf32, #tpu.memory_space<vmem>>
    %dma_wait3A_14 = tpu.memref_squeeze %dma_wait3A_13 : memref<1x2048x8xf32, #tpu.memory_space<vmem>> -> memref<2048x8xf32, #tpu.memory_space<vmem>>
    %dma_wait3A_15 = arith.constant 12288 : i32
    %dma_wait3A_16 = tpu.memref_slice %arg6[%dma_wait3A_15] : memref<16384xi32, #tpu.memory_space<vmem>> -> memref<2048xi32, #tpu.memory_space<vmem>>
    %dma_wait3A_17 = arith.constant 0 : i32
    %dma_wait3A_18 = arith.constant 0 : i32
    %dma_wait3A_19 = tpu.memref_slice %arg8[%dma_wait3A_17, %dma_wait3A_18] : memref<16384x8xf32, #tpu.memory_space<vmem_shared>> -> memref<16384x8xf32, #tpu.memory_space<vmem_shared>>
    %dma_wait3A_20 = tpu.memref_slice %arg9[%dma_wait3A_10] : memref<2x!tpu.dma_semaphore, #tpu.memory_space<semaphore_mem>> -> memref<1x!tpu.dma_semaphore, #tpu.memory_space<semaphore_mem>>
    %dma_wait3A_21 = tpu.memref_squeeze %dma_wait3A_20 : memref<1x!tpu.dma_semaphore, #tpu.memory_space<semaphore_mem>> -> memref<!tpu.dma_semaphore, #tpu.memory_space<semaphore_mem>>
    tpu.wait_indirect_dma semaphore(%dma_wait3A_21 : memref<!tpu.dma_semaphore, #tpu.memory_space<semaphore_mem>>) src(%dma_wait3A_14 : memref<2048x8xf32, #tpu.memory_space<vmem>>) dst(%dma_wait3A_19 : memref<16384x8xf32, #tpu.memory_space<vmem_shared>>)
    %dma_wait3A_22 = arith.constant 1 : i32
    %dma_wait3A_23 = arith.constant 1 : i32
    %dma_wait3A_24 = arith.constant 0 : i32
    %dma_wait3A_25 = arith.constant 0 : i32
    %dma_wait3A_26 = tpu.memref_slice %arg7[%dma_wait3A_22, %dma_wait3A_24, %dma_wait3A_25] : memref<2x2048x8xf32, #tpu.memory_space<vmem>> -> memref<1x2048x8xf32, #tpu.memory_space<vmem>>
    %dma_wait3A_27 = tpu.memref_squeeze %dma_wait3A_26 : memref<1x2048x8xf32, #tpu.memory_space<vmem>> -> memref<2048x8xf32, #tpu.memory_space<vmem>>
    %dma_wait3A_28 = arith.constant 14336 : i32
    %dma_wait3A_29 = tpu.memref_slice %arg6[%dma_wait3A_28] : memref<16384xi32, #tpu.memory_space<vmem>> -> memref<2048xi32, #tpu.memory_space<vmem>>
    %dma_wait3A_30 = arith.constant 0 : i32
    %dma_wait3A_31 = arith.constant 0 : i32
    %dma_wait3A_32 = tpu.memref_slice %arg8[%dma_wait3A_30, %dma_wait3A_31] : memref<16384x8xf32, #tpu.memory_space<vmem_shared>> -> memref<16384x8xf32, #tpu.memory_space<vmem_shared>>
    %dma_wait3A_33 = tpu.memref_slice %arg9[%dma_wait3A_23] : memref<2x!tpu.dma_semaphore, #tpu.memory_space<semaphore_mem>> -> memref<1x!tpu.dma_semaphore, #tpu.memory_space<semaphore_mem>>
    %dma_wait3A_34 = tpu.memref_squeeze %dma_wait3A_33 : memref<1x!tpu.dma_semaphore, #tpu.memory_space<semaphore_mem>> -> memref<!tpu.dma_semaphore, #tpu.memory_space<semaphore_mem>>
    tpu.wait_indirect_dma semaphore(%dma_wait3A_34 : memref<!tpu.dma_semaphore, #tpu.memory_space<semaphore_mem>>) src(%dma_wait3A_27 : memref<2048x8xf32, #tpu.memory_space<vmem>>) dst(%dma_wait3A_32 : memref<16384x8xf32, #tpu.memory_space<vmem_shared>>)
    %barrier3A_35 = arith.constant 0 : index
    tpu.barrier barrier_id(%barrier3A_35)
    %mul3A_36 = arith.constant 1024 : i32
    %mul3A_37 = arith.muli %arg1, %mul3A_36 : i32
    %mul3A_38 = arith.constant 1024 : i32
    %mul3A_39 = arith.muli %arg1, %mul3A_38 : i32
    "tpu.region"() ({
      %run_scoped3A = tpu.sem_alloc : memref<!tpu.dma_semaphore, #tpu.memory_space<semaphore_mem>>
      %dma_start3A = arith.constant 0 : i32
      %dma_start3A_40 = tpu.memref_slice %arg5[%arg0, %mul3A_39, %dma_start3A] : memref<2x16384x8xf32, #tpu.memory_space<hbm>> -> memref<1x1024x8xf32, #tpu.memory_space<hbm>>
      %dma_start3A_41 = tpu.memref_squeeze %dma_start3A_40 : memref<1x1024x8xf32, #tpu.memory_space<hbm>> -> memref<1024x8xf32, #tpu.memory_space<hbm>>
      %dma_start3A_42 = arith.constant 0 : i32
      %dma_start3A_43 = tpu.memref_slice %arg8[%mul3A_37, %dma_start3A_42] : memref<16384x8xf32, #tpu.memory_space<vmem_shared>> -> memref<1024x8xf32, #tpu.memory_space<vmem_shared>>
      tpu.enqueue_dma source(%dma_start3A_43 : memref<1024x8xf32, #tpu.memory_space<vmem_shared>>) target(%dma_start3A_41 : memref<1024x8xf32, #tpu.memory_space<hbm>>) target_semaphore(%run_scoped3A : memref<!tpu.dma_semaphore, #tpu.memory_space<semaphore_mem>>)
      %dma_wait3A_44 = arith.constant 0 : i32
      %dma_wait3A_45 = tpu.memref_slice %arg5[%arg0, %mul3A_39, %dma_wait3A_44] : memref<2x16384x8xf32, #tpu.memory_space<hbm>> -> memref<1x1024x8xf32, #tpu.memory_space<hbm>>
      %dma_wait3A_46 = tpu.memref_squeeze %dma_wait3A_45 : memref<1x1024x8xf32, #tpu.memory_space<hbm>> -> memref<1024x8xf32, #tpu.memory_space<hbm>>
      %dma_wait3A_47 = arith.constant 0 : i32
      %dma_wait3A_48 = tpu.memref_slice %arg8[%mul3A_37, %dma_wait3A_47] : memref<16384x8xf32, #tpu.memory_space<vmem_shared>> -> memref<1024x8xf32, #tpu.memory_space<vmem_shared>>
      tpu.wait_dma2 semaphore(%run_scoped3A : memref<!tpu.dma_semaphore, #tpu.memory_space<semaphore_mem>>) src(%dma_wait3A_48 : memref<1024x8xf32, #tpu.memory_space<vmem_shared>>) dst(%dma_wait3A_46 : memref<1024x8xf32, #tpu.memory_space<hbm>>)
      tpu.yield
    }) : () -> ()
    return
  }
}

#map = affine_map<(d0, d1) -> (0, 0)>
#map1 = affine_map<(d0, d1) -> (0)>
module attributes {stable_mosaic.version = 14 : i64} {
  func.func @_gather_body(%arg0: i32, %arg1: i32, %arg2: memref<16384x8xf32, #tpu.memory_space<hbm>>, %arg3: memref<524288xi32, #tpu.memory_space<hbm>>, %arg4: memref<524288x8xf32, #tpu.memory_space<hbm>>, %arg5: memref<16384xi32, #tpu.memory_space<vmem>>, %arg6: memref<2x2048x8xf32, #tpu.memory_space<vmem>>, %arg7: memref<2x!tpu.dma_semaphore, #tpu.memory_space<semaphore_mem>>) attributes {dimension_semantics = [#tpu.dimension_semantics<core_parallel>, #tpu.dimension_semantics<subcore_parallel>], iteration_bounds = array<i64: 2, 16>, scalar_prefetch = 0 : i64, scratch_operands = 3 : i64, tpu.core_type = #tpu.core_type<sc_vector_subcore>, window_params = [{transform_indices = #map}, {transform_indices = #map1}, {transform_indices = #map}]} {
    %mul3A = arith.constant 16 : i32
    %mul3A_0 = arith.muli %arg0, %mul3A : i32
    %add3A = arith.addi %mul3A_0, %arg1 : i32
    %mul3A_1 = arith.constant 16384 : i32
    %mul3A_2 = arith.muli %add3A, %mul3A_1 : i32
    "tpu.region"() ({
      %run_scoped3A = tpu.sem_alloc : memref<!tpu.dma_semaphore, #tpu.memory_space<semaphore_mem>>
      %dma_start3A_20 = tpu.memref_slice %arg3[%mul3A_2] : memref<524288xi32, #tpu.memory_space<hbm>> -> memref<16384xi32, #tpu.memory_space<hbm>>
      %dma_start3A_21 = tpu.memref_slice %arg3[%mul3A_2] : memref<524288xi32, #tpu.memory_space<hbm>> -> memref<16384xi32, #tpu.memory_space<hbm>>
      tpu.enqueue_dma source(%dma_start3A_21 : memref<16384xi32, #tpu.memory_space<hbm>>) target(%arg5 : memref<16384xi32, #tpu.memory_space<vmem>>) target_semaphore(%run_scoped3A : memref<!tpu.dma_semaphore, #tpu.memory_space<semaphore_mem>>)
      %dma_wait3A = tpu.memref_slice %arg3[%mul3A_2] : memref<524288xi32, #tpu.memory_space<hbm>> -> memref<16384xi32, #tpu.memory_space<hbm>>
      %dma_wait3A_22 = tpu.memref_slice %arg3[%mul3A_2] : memref<524288xi32, #tpu.memory_space<hbm>> -> memref<16384xi32, #tpu.memory_space<hbm>>
      tpu.wait_dma2 semaphore(%run_scoped3A : memref<!tpu.dma_semaphore, #tpu.memory_space<semaphore_mem>>) src(%dma_wait3A_22 : memref<16384xi32, #tpu.memory_space<hbm>>) dst(%arg5 : memref<16384xi32, #tpu.memory_space<vmem>>)
      tpu.yield
    }) : () -> ()
    %dma_start3A = arith.constant 0 : i32
    %dma_start3A_3 = arith.constant 0 : i32
    %dma_start3A_4 = arith.constant 0 : i32
    %dma_start3A_5 = arith.constant 0 : i32
    %dma_start3A_6 = tpu.memref_slice %arg6[%dma_start3A, %dma_start3A_4, %dma_start3A_5] : memref<2x2048x8xf32, #tpu.memory_space<vmem>> -> memref<1x2048x8xf32, #tpu.memory_space<vmem>>
    %dma_start3A_7 = tpu.memref_squeeze %dma_start3A_6 : memref<1x2048x8xf32, #tpu.memory_space<vmem>> -> memref<2048x8xf32, #tpu.memory_space<vmem>>
    %dma_start3A_8 = arith.constant 0 : i32
    %dma_start3A_9 = tpu.memref_slice %arg5[%dma_start3A_8] : memref<16384xi32, #tpu.memory_space<vmem>> -> memref<2048xi32, #tpu.memory_space<vmem>>
    %dma_start3A_10 = arith.constant 0 : i32
    %dma_start3A_11 = arith.constant 0 : i32
    %dma_start3A_12 = tpu.memref_slice %arg2[%dma_start3A_10, %dma_start3A_11] : memref<16384x8xf32, #tpu.memory_space<hbm>> -> memref<16384x8xf32, #tpu.memory_space<hbm>>
    %dma_start3A_13 = tpu.memref_slice %arg7[%dma_start3A_3] : memref<2x!tpu.dma_semaphore, #tpu.memory_space<semaphore_mem>> -> memref<1x!tpu.dma_semaphore, #tpu.memory_space<semaphore_mem>>
    %dma_start3A_14 = tpu.memref_squeeze %dma_start3A_13 : memref<1x!tpu.dma_semaphore, #tpu.memory_space<semaphore_mem>> -> memref<!tpu.dma_semaphore, #tpu.memory_space<semaphore_mem>>
    tpu.enqueue_indirect_dma source(%dma_start3A_12 : memref<16384x8xf32, #tpu.memory_space<hbm>>) target(%dma_start3A_7 : memref<2048x8xf32, #tpu.memory_space<vmem>>) offsets(%dma_start3A_9 : memref<2048xi32, #tpu.memory_space<vmem>>) semaphore(%dma_start3A_14 : memref<!tpu.dma_semaphore, #tpu.memory_space<semaphore_mem>>)
    %scan3A = arith.constant 0 : i32
    %scan3A_15 = arith.constant 0 : i32
    %scan3A_16 = arith.constant 8 : i32
    %scan3A_17 = arith.addi %scan3A_15, %scan3A_16 : i32
    %scan3A_18 = arith.constant 1 : i32
    scf.for %scan3A_20 = %scan3A_15 to %scan3A_17 step %scan3A_18  : i32 {
      %jit3A = arith.constant 2 : i32
      %eq3A = arith.constant 0 : i32
      %eq3A_21 = arith.cmpi eq, %jit3A, %eq3A : i32
      %jit3A_22 = arith.constant 1 : i32
      %select_n3A = arith.select %eq3A_21, %jit3A_22, %jit3A : i32
      %rem3A = arith.remsi %scan3A_20, %select_n3A : i32
      %ne3A = arith.constant 0 : i32
      %ne3A_23 = arith.cmpi ne, %rem3A, %ne3A : i32
      %lt3A = arith.constant 0 : i32
      %lt3A_24 = arith.cmpi slt, %rem3A, %lt3A : i32
      %lt3A_25 = arith.constant 0 : i32
      %lt3A_26 = arith.cmpi slt, %select_n3A, %lt3A_25 : i32
      %ne3A_27 = arith.xori %lt3A_24, %lt3A_26 : i1
      %and3A = arith.andi %ne3A_27, %ne3A_23 : i1
      %add3A_28 = arith.addi %rem3A, %select_n3A : i32
      %select_n3A_29 = arith.select %and3A, %add3A_28, %rem3A : i32
      %add3A_30 = arith.constant 1 : i32
      %add3A_31 = arith.addi %scan3A_20, %add3A_30 : i32
      %jit3A_32 = arith.constant 2 : i32
      %eq3A_33 = arith.constant 0 : i32
      %eq3A_34 = arith.cmpi eq, %jit3A_32, %eq3A_33 : i32
      %jit3A_35 = arith.constant 1 : i32
      %select_n3A_36 = arith.select %eq3A_34, %jit3A_35, %jit3A_32 : i32
      %rem3A_37 = arith.remsi %add3A_31, %select_n3A_36 : i32
      %ne3A_38 = arith.constant 0 : i32
      %ne3A_39 = arith.cmpi ne, %rem3A_37, %ne3A_38 : i32
      %lt3A_40 = arith.constant 0 : i32
      %lt3A_41 = arith.cmpi slt, %rem3A_37, %lt3A_40 : i32
      %lt3A_42 = arith.constant 0 : i32
      %lt3A_43 = arith.cmpi slt, %select_n3A_36, %lt3A_42 : i32
      %ne3A_44 = arith.xori %lt3A_41, %lt3A_43 : i1
      %and3A_45 = arith.andi %ne3A_44, %ne3A_39 : i1
      %add3A_46 = arith.addi %rem3A_37, %select_n3A_36 : i32
      %select_n3A_47 = arith.select %and3A_45, %add3A_46, %rem3A_37 : i32
      %add3A_48 = arith.constant 1 : i32
      %add3A_49 = arith.addi %scan3A_20, %add3A_48 : i32
      %lt3A_50 = arith.constant 8 : i32
      %lt3A_51 = arith.cmpi slt, %add3A_49, %lt3A_50 : i32
      %convert_element_type3A = arith.extui %lt3A_51 : i1 to i32
      %cond3A = arith.constant 0 : i32
      %cond3A_52 = arith.cmpi ne, %convert_element_type3A, %cond3A : i32
      scf.if %cond3A_52 {
        %add3A_67 = arith.constant 1 : i32
        %add3A_68 = arith.addi %scan3A_20, %add3A_67 : i32
        %mul3A_69 = arith.constant 2048 : i32
        %mul3A_70 = arith.muli %add3A_68, %mul3A_69 : i32
        %dma_start3A_71 = arith.constant 0 : i32
        %dma_start3A_72 = arith.constant 0 : i32
        %dma_start3A_73 = tpu.memref_slice %arg6[%select_n3A_47, %dma_start3A_71, %dma_start3A_72] : memref<2x2048x8xf32, #tpu.memory_space<vmem>> -> memref<1x2048x8xf32, #tpu.memory_space<vmem>>
        %dma_start3A_74 = tpu.memref_squeeze %dma_start3A_73 : memref<1x2048x8xf32, #tpu.memory_space<vmem>> -> memref<2048x8xf32, #tpu.memory_space<vmem>>
        %dma_start3A_75 = tpu.memref_slice %arg5[%mul3A_70] : memref<16384xi32, #tpu.memory_space<vmem>> -> memref<2048xi32, #tpu.memory_space<vmem>>
        %dma_start3A_76 = arith.constant 0 : i32
        %dma_start3A_77 = arith.constant 0 : i32
        %dma_start3A_78 = tpu.memref_slice %arg2[%dma_start3A_76, %dma_start3A_77] : memref<16384x8xf32, #tpu.memory_space<hbm>> -> memref<16384x8xf32, #tpu.memory_space<hbm>>
        %dma_start3A_79 = tpu.memref_slice %arg7[%select_n3A_47] : memref<2x!tpu.dma_semaphore, #tpu.memory_space<semaphore_mem>> -> memref<1x!tpu.dma_semaphore, #tpu.memory_space<semaphore_mem>>
        %dma_start3A_80 = tpu.memref_squeeze %dma_start3A_79 : memref<1x!tpu.dma_semaphore, #tpu.memory_space<semaphore_mem>> -> memref<!tpu.dma_semaphore, #tpu.memory_space<semaphore_mem>>
        tpu.enqueue_indirect_dma source(%dma_start3A_78 : memref<16384x8xf32, #tpu.memory_space<hbm>>) target(%dma_start3A_74 : memref<2048x8xf32, #tpu.memory_space<vmem>>) offsets(%dma_start3A_75 : memref<2048xi32, #tpu.memory_space<vmem>>) semaphore(%dma_start3A_80 : memref<!tpu.dma_semaphore, #tpu.memory_space<semaphore_mem>>)
      } else {
      }
      %mul3A_53 = arith.constant 2048 : i32
      %mul3A_54 = arith.muli %scan3A_20, %mul3A_53 : i32
      %dma_wait3A = arith.constant 0 : i32
      %dma_wait3A_55 = arith.constant 0 : i32
      %dma_wait3A_56 = tpu.memref_slice %arg6[%select_n3A_29, %dma_wait3A, %dma_wait3A_55] : memref<2x2048x8xf32, #tpu.memory_space<vmem>> -> memref<1x2048x8xf32, #tpu.memory_space<vmem>>
      %dma_wait3A_57 = tpu.memref_squeeze %dma_wait3A_56 : memref<1x2048x8xf32, #tpu.memory_space<vmem>> -> memref<2048x8xf32, #tpu.memory_space<vmem>>
      %dma_wait3A_58 = tpu.memref_slice %arg5[%mul3A_54] : memref<16384xi32, #tpu.memory_space<vmem>> -> memref<2048xi32, #tpu.memory_space<vmem>>
      %dma_wait3A_59 = arith.constant 0 : i32
      %dma_wait3A_60 = arith.constant 0 : i32
      %dma_wait3A_61 = tpu.memref_slice %arg2[%dma_wait3A_59, %dma_wait3A_60] : memref<16384x8xf32, #tpu.memory_space<hbm>> -> memref<16384x8xf32, #tpu.memory_space<hbm>>
      %dma_wait3A_62 = tpu.memref_slice %arg7[%select_n3A_29] : memref<2x!tpu.dma_semaphore, #tpu.memory_space<semaphore_mem>> -> memref<1x!tpu.dma_semaphore, #tpu.memory_space<semaphore_mem>>
      %dma_wait3A_63 = tpu.memref_squeeze %dma_wait3A_62 : memref<1x!tpu.dma_semaphore, #tpu.memory_space<semaphore_mem>> -> memref<!tpu.dma_semaphore, #tpu.memory_space<semaphore_mem>>
      tpu.wait_indirect_dma semaphore(%dma_wait3A_63 : memref<!tpu.dma_semaphore, #tpu.memory_space<semaphore_mem>>) src(%dma_wait3A_61 : memref<16384x8xf32, #tpu.memory_space<hbm>>) dst(%dma_wait3A_57 : memref<2048x8xf32, #tpu.memory_space<vmem>>)
      %mul3A_64 = arith.constant 2048 : i32
      %mul3A_65 = arith.muli %scan3A_20, %mul3A_64 : i32
      %add3A_66 = arith.addi %mul3A_2, %mul3A_65 : i32
      "tpu.region"() ({
        %run_scoped3A = tpu.sem_alloc : memref<!tpu.dma_semaphore, #tpu.memory_space<semaphore_mem>>
        %dma_start3A_67 = arith.constant 0 : i32
        %dma_start3A_68 = arith.constant 0 : i32
        %dma_start3A_69 = tpu.memref_slice %arg6[%select_n3A_29, %dma_start3A_67, %dma_start3A_68] : memref<2x2048x8xf32, #tpu.memory_space<vmem>> -> memref<1x2048x8xf32, #tpu.memory_space<vmem>>
        %dma_start3A_70 = tpu.memref_squeeze %dma_start3A_69 : memref<1x2048x8xf32, #tpu.memory_space<vmem>> -> memref<2048x8xf32, #tpu.memory_space<vmem>>
        %dma_start3A_71 = arith.constant 0 : i32
        %dma_start3A_72 = tpu.memref_slice %arg4[%add3A_66, %dma_start3A_71] : memref<524288x8xf32, #tpu.memory_space<hbm>> -> memref<2048x8xf32, #tpu.memory_space<hbm>>
        %dma_start3A_73 = arith.constant 0 : i32
        %dma_start3A_74 = tpu.memref_slice %arg4[%add3A_66, %dma_start3A_73] : memref<524288x8xf32, #tpu.memory_space<hbm>> -> memref<2048x8xf32, #tpu.memory_space<hbm>>
        %dma_start3A_75 = arith.constant 0 : i32
        %dma_start3A_76 = arith.constant 0 : i32
        %dma_start3A_77 = tpu.memref_slice %arg6[%select_n3A_29, %dma_start3A_75, %dma_start3A_76] : memref<2x2048x8xf32, #tpu.memory_space<vmem>> -> memref<1x2048x8xf32, #tpu.memory_space<vmem>>
        %dma_start3A_78 = tpu.memref_squeeze %dma_start3A_77 : memref<1x2048x8xf32, #tpu.memory_space<vmem>> -> memref<2048x8xf32, #tpu.memory_space<vmem>>
        tpu.enqueue_dma source(%dma_start3A_78 : memref<2048x8xf32, #tpu.memory_space<vmem>>) target(%dma_start3A_74 : memref<2048x8xf32, #tpu.memory_space<hbm>>) target_semaphore(%run_scoped3A : memref<!tpu.dma_semaphore, #tpu.memory_space<semaphore_mem>>)
        %dma_wait3A_79 = arith.constant 0 : i32
        %dma_wait3A_80 = arith.constant 0 : i32
        %dma_wait3A_81 = tpu.memref_slice %arg6[%select_n3A_29, %dma_wait3A_79, %dma_wait3A_80] : memref<2x2048x8xf32, #tpu.memory_space<vmem>> -> memref<1x2048x8xf32, #tpu.memory_space<vmem>>
        %dma_wait3A_82 = tpu.memref_squeeze %dma_wait3A_81 : memref<1x2048x8xf32, #tpu.memory_space<vmem>> -> memref<2048x8xf32, #tpu.memory_space<vmem>>
        %dma_wait3A_83 = arith.constant 0 : i32
        %dma_wait3A_84 = tpu.memref_slice %arg4[%add3A_66, %dma_wait3A_83] : memref<524288x8xf32, #tpu.memory_space<hbm>> -> memref<2048x8xf32, #tpu.memory_space<hbm>>
        %dma_wait3A_85 = arith.constant 0 : i32
        %dma_wait3A_86 = tpu.memref_slice %arg4[%add3A_66, %dma_wait3A_85] : memref<524288x8xf32, #tpu.memory_space<hbm>> -> memref<2048x8xf32, #tpu.memory_space<hbm>>
        %dma_wait3A_87 = arith.constant 0 : i32
        %dma_wait3A_88 = arith.constant 0 : i32
        %dma_wait3A_89 = tpu.memref_slice %arg6[%select_n3A_29, %dma_wait3A_87, %dma_wait3A_88] : memref<2x2048x8xf32, #tpu.memory_space<vmem>> -> memref<1x2048x8xf32, #tpu.memory_space<vmem>>
        %dma_wait3A_90 = tpu.memref_squeeze %dma_wait3A_89 : memref<1x2048x8xf32, #tpu.memory_space<vmem>> -> memref<2048x8xf32, #tpu.memory_space<vmem>>
        tpu.wait_dma2 semaphore(%run_scoped3A : memref<!tpu.dma_semaphore, #tpu.memory_space<semaphore_mem>>) src(%dma_wait3A_90 : memref<2048x8xf32, #tpu.memory_space<vmem>>) dst(%dma_wait3A_86 : memref<2048x8xf32, #tpu.memory_space<hbm>>)
        tpu.yield
      }) : () -> ()
    }
    %scan3A_19 = arith.constant 8 : i32
    return
  }
}

module attributes {stable_mosaic.version = 14 : i64} {
  func.func @_main_body(%arg0: i32, %arg1: memref<3x4096xf32, #tpu.memory_space<vmem>>, %arg2: memref<4096x8xf32, #tpu.memory_space<vmem>>, %arg3: memref<1x4096xf32, #tpu.memory_space<vmem>>, %arg4: memref<1x4096xf32, #tpu.memory_space<vmem>>, %arg5: memref<1x4096xi32, #tpu.memory_space<vmem>>, %arg6: memref<64x6xf32, #tpu.memory_space<vmem>>, %arg7: memref<64x1xf32, #tpu.memory_space<vmem>>, %arg8: memref<4x64xf32, #tpu.memory_space<vmem>>, %arg9: memref<4x1xf32, #tpu.memory_space<vmem>>, %arg10: memref<4096x8xf32, #tpu.memory_space<vmem>>, %arg11: memref<1x1xf32, #tpu.memory_space<smem>>, %arg12: memref<1x1xf32, #tpu.memory_space<smem>>, %arg13: memref<1x1xi32, #tpu.memory_space<smem>>) attributes {dimension_semantics = [#tpu.dimension_semantics<arbitrary>], iteration_bounds = array<i64: 128>, scalar_prefetch = 0 : i64, scratch_operands = 3 : i64, tpu.core_type = #tpu.core_type<tc>, window_params = [{transform_indices = @transform_0, window_bounds = array<i64: 3, 4096>}, {transform_indices = @transform_1, window_bounds = array<i64: 4096, 8>}, {transform_indices = @transform_2, window_bounds = array<i64: 1, 4096>}, {transform_indices = @transform_3, window_bounds = array<i64: 1, 4096>}, {transform_indices = @transform_4, window_bounds = array<i64: 1, 4096>}, {pipeline_mode = #tpu.pipeline_mode<synchronous>, transform_indices = @transform_5, window_bounds = array<i64: 64, 6>}, {pipeline_mode = #tpu.pipeline_mode<synchronous>, transform_indices = @transform_6, window_bounds = array<i64: 64, 1>}, {pipeline_mode = #tpu.pipeline_mode<synchronous>, transform_indices = @transform_7, window_bounds = array<i64: 4, 64>}, {pipeline_mode = #tpu.pipeline_mode<synchronous>, transform_indices = @transform_8, window_bounds = array<i64: 4, 1>}, {transform_indices = @transform_9, window_bounds = array<i64: 4096, 8>}]} {
    %eq3A = arith.constant 0 : i32
    %eq3A_0 = arith.cmpi eq, %arg0, %eq3A : i32
    %convert_element_type3A = arith.extui %eq3A_0 : i1 to i32
    %cond3A = arith.constant 0 : i32
    %cond3A_1 = arith.cmpi ne, %convert_element_type3A, %cond3A : i32
    scf.if %cond3A_1 {
      %swap3A_346 = arith.constant 0.000000e+00 : f32
      %swap3A_347 = arith.constant 0 : index
      %swap3A_348 = arith.constant 0 : index
      %swap3A_349 = memref.load %arg11[%swap3A_347, %swap3A_348] : memref<1x1xf32, #tpu.memory_space<smem>>
      memref.store %swap3A_346, %arg11[%swap3A_347, %swap3A_348] : memref<1x1xf32, #tpu.memory_space<smem>>
      %swap3A_350 = arith.constant 0.000000e+00 : f32
      %swap3A_351 = arith.constant 0 : index
      %swap3A_352 = arith.constant 0 : index
      %swap3A_353 = memref.load %arg12[%swap3A_351, %swap3A_352] : memref<1x1xf32, #tpu.memory_space<smem>>
      memref.store %swap3A_350, %arg12[%swap3A_351, %swap3A_352] : memref<1x1xf32, #tpu.memory_space<smem>>
      %swap3A_354 = arith.constant -1 : i32
      %swap3A_355 = arith.constant 0 : index
      %swap3A_356 = arith.constant 0 : index
      %swap3A_357 = memref.load %arg13[%swap3A_355, %swap3A_356] : memref<1x1xi32, #tpu.memory_space<smem>>
      memref.store %swap3A_354, %arg13[%swap3A_355, %swap3A_356] : memref<1x1xi32, #tpu.memory_space<smem>>
    } else {
    }
    %get3A = arith.constant 0 : index
    %get3A_2 = arith.constant 0 : index
    %get3A_3 = memref.load %arg11[%get3A, %get3A_2] : memref<1x1xf32, #tpu.memory_space<smem>>
    %get3A_4 = arith.constant 0 : index
    %get3A_5 = arith.constant 0 : index
    %get3A_6 = memref.load %arg12[%get3A_4, %get3A_5] : memref<1x1xf32, #tpu.memory_space<smem>>
    %get3A_7 = arith.constant 0 : index
    %get3A_8 = arith.constant 0 : index
    %get3A_9 = memref.load %arg13[%get3A_7, %get3A_8] : memref<1x1xi32, #tpu.memory_space<smem>>
    %get3A_10 = arith.constant 0 : index
    %get3A_11 = arith.constant 0 : index
    %get3A_12 = vector.load %arg2[%get3A_10, %get3A_11] : memref<4096x8xf32, #tpu.memory_space<vmem>>, vector<4096x8xf32>
    %transpose3A = tpu.transpose %get3A_12, [1, 0] : vector<4096x8xf32> -> vector<8x4096xf32>
    %get3A_13 = arith.constant 0 : index
    %get3A_14 = arith.constant 0 : index
    %get3A_15 = vector.load %arg1[%get3A_13, %get3A_14] : memref<3x4096xf32, #tpu.memory_space<vmem>>, vector<3x4096xf32>
    %slice3A = vector.extract_strided_slice %transpose3A {offsets = [0, 0], sizes = [3, 4096], strides = [1, 1]} : vector<8x4096xf32> to vector<3x4096xf32>
    %concatenate3A = tpu.concatenate %get3A_15, %slice3A in 0 : vector<3x4096xf32>, vector<3x4096xf32> -> vector<6x4096xf32>
    %get3A_16 = arith.constant 0 : index
    %get3A_17 = arith.constant 0 : index
    %get3A_18 = vector.load %arg6[%get3A_16, %get3A_17] : memref<64x6xf32, #tpu.memory_space<vmem>>, vector<64x6xf32>
    %dot_general3A = arith.constant dense<0.000000e+00> : vector<64x4096xf32>
    %dot_general3A_19 = tpu.matmul %get3A_18, %concatenate3A, %dot_general3A {dimension_numbers = #tpu.dot_dimension_numbers<[1], [0], [0], [1], [0, 0, 1, 1], [], []>, transpose_lhs_hint = false} : vector<64x6xf32>, vector<6x4096xf32>, vector<64x4096xf32> -> vector<64x4096xf32>
    %get3A_20 = arith.constant 0 : index
    %get3A_21 = arith.constant 0 : index
    %get3A_22 = vector.load %arg7[%get3A_20, %get3A_21] : memref<64x1xf32, #tpu.memory_space<vmem>>, vector<64x1xf32>
    %add3A = vector.broadcast %get3A_22 : vector<64x1xf32> to vector<64x4096xf32>
    %add3A_23 = arith.addf %dot_general3A_19, %add3A : vector<64x4096xf32>
    %max3A = arith.constant 0.000000e+00 : f32
    %max3A_24 = vector.broadcast %max3A : f32 to vector<64x4096xf32>
    %max3A_25 = arith.maximumf %add3A_23, %max3A_24 : vector<64x4096xf32>
    %get3A_26 = arith.constant 0 : index
    %get3A_27 = arith.constant 0 : index
    %get3A_28 = vector.load %arg8[%get3A_26, %get3A_27] : memref<4x64xf32, #tpu.memory_space<vmem>>, vector<4x64xf32>
    %dot_general3A_29 = arith.constant dense<0.000000e+00> : vector<4x4096xf32>
    %dot_general3A_30 = tpu.matmul %get3A_28, %max3A_25, %dot_general3A_29 {dimension_numbers = #tpu.dot_dimension_numbers<[1], [0], [0], [1], [0, 0, 1, 1], [], []>, transpose_lhs_hint = false} : vector<4x64xf32>, vector<64x4096xf32>, vector<4x4096xf32> -> vector<4x4096xf32>
    %get3A_31 = arith.constant 0 : index
    %get3A_32 = arith.constant 0 : index
    %get3A_33 = vector.load %arg9[%get3A_31, %get3A_32] : memref<4x1xf32, #tpu.memory_space<vmem>>, vector<4x1xf32>
    %add3A_34 = vector.broadcast %get3A_33 : vector<4x1xf32> to vector<4x4096xf32>
    %add3A_35 = arith.addf %dot_general3A_30, %add3A_34 : vector<4x4096xf32>
    %slice3A_36 = vector.extract_strided_slice %add3A_35 {offsets = [0, 0], sizes = [3, 4096], strides = [1, 1]} : vector<4x4096xf32> to vector<3x4096xf32>
    %neg3A = arith.constant 0.000000e+00 : f32
    %neg3A_37 = vector.broadcast %neg3A : f32 to vector<3x4096xf32>
    %neg3A_38 = arith.subf %neg3A_37, %slice3A_36 : vector<3x4096xf32>
    %exp3A = math.exp %neg3A_38 : vector<3x4096xf32>
    %add3A_39 = arith.constant 1.000000e+00 : f32
    %add3A_40 = vector.broadcast %add3A_39 : f32 to vector<3x4096xf32>
    %add3A_41 = arith.addf %add3A_40, %exp3A : vector<3x4096xf32>
    %div3A = arith.constant 1.000000e+00 : f32
    %div3A_42 = vector.broadcast %div3A : f32 to vector<3x4096xf32>
    %div3A_43 = arith.divf %div3A_42, %add3A_41 : vector<3x4096xf32>
    %slice3A_44 = vector.extract_strided_slice %add3A_35 {offsets = [3, 0], sizes = [1, 4096], strides = [1, 1]} : vector<4x4096xf32> to vector<1x4096xf32>
    %max3A_45 = arith.constant 0.000000e+00 : f32
    %max3A_46 = vector.broadcast %max3A_45 : f32 to vector<1x4096xf32>
    %max3A_47 = arith.maximumf %slice3A_44, %max3A_46 : vector<1x4096xf32>
    %abs3A = math.absf %slice3A_44 : vector<1x4096xf32>
    %neg3A_48 = arith.constant 0.000000e+00 : f32
    %neg3A_49 = vector.broadcast %neg3A_48 : f32 to vector<1x4096xf32>
    %neg3A_50 = arith.subf %neg3A_49, %abs3A : vector<1x4096xf32>
    %exp3A_51 = math.exp %neg3A_50 : vector<1x4096xf32>
    %add3A_52 = arith.constant 1.000000e+00 : f32
    %add3A_53 = vector.broadcast %add3A_52 : f32 to vector<1x4096xf32>
    %add3A_54 = arith.addf %add3A_53, %exp3A_51 : vector<1x4096xf32>
    %log3A = math.log %add3A_54 : vector<1x4096xf32>
    %add3A_55 = arith.addf %max3A_47, %log3A : vector<1x4096xf32>
    %get3A_56 = arith.constant 0 : index
    %get3A_57 = arith.constant 0 : index
    %get3A_58 = vector.load %arg4[%get3A_56, %get3A_57] : memref<1x4096xf32, #tpu.memory_space<vmem>>, vector<1x4096xf32>
    %mul3A = arith.mulf %add3A_55, %get3A_58 : vector<1x4096xf32>
    %iota3A = tpu.iota {dimensions = array<i32: 1>} : vector<1x4096xi32>
    %roll3A = arith.constant 1 : i32
    %roll3A_59 = tpu.dynamic_rotate %mul3A by %roll3A dim 1 : vector<1x4096xf32>, i32 -> vector<1x4096xf32>
    %ge3A = arith.constant 1 : i32
    %ge3A_60 = vector.broadcast %ge3A : i32 to vector<1x4096xi32>
    %ge3A_61 = arith.cmpi sge, %iota3A, %ge3A_60 : vector<1x4096xi32>
    %jit3A = arith.constant 0.000000e+00 : f32
    %broadcast_in_dim3A = vector.broadcast %jit3A : f32 to vector<1x4096xf32>
    %select_n3A = arith.select %ge3A_61, %roll3A_59, %broadcast_in_dim3A : vector<1x4096xi1>, vector<1x4096xf32>
    %add3A_62 = arith.addf %mul3A, %select_n3A : vector<1x4096xf32>
    %roll3A_63 = arith.constant 2 : i32
    %roll3A_64 = tpu.dynamic_rotate %add3A_62 by %roll3A_63 dim 1 : vector<1x4096xf32>, i32 -> vector<1x4096xf32>
    %ge3A_65 = arith.constant 2 : i32
    %ge3A_66 = vector.broadcast %ge3A_65 : i32 to vector<1x4096xi32>
    %ge3A_67 = arith.cmpi sge, %iota3A, %ge3A_66 : vector<1x4096xi32>
    %jit3A_68 = arith.constant 0.000000e+00 : f32
    %broadcast_in_dim3A_69 = vector.broadcast %jit3A_68 : f32 to vector<1x4096xf32>
    %select_n3A_70 = arith.select %ge3A_67, %roll3A_64, %broadcast_in_dim3A_69 : vector<1x4096xi1>, vector<1x4096xf32>
    %add3A_71 = arith.addf %add3A_62, %select_n3A_70 : vector<1x4096xf32>
    %roll3A_72 = arith.constant 4 : i32
    %roll3A_73 = tpu.dynamic_rotate %add3A_71 by %roll3A_72 dim 1 : vector<1x4096xf32>, i32 -> vector<1x4096xf32>
    %ge3A_74 = arith.constant 4 : i32
    %ge3A_75 = vector.broadcast %ge3A_74 : i32 to vector<1x4096xi32>
    %ge3A_76 = arith.cmpi sge, %iota3A, %ge3A_75 : vector<1x4096xi32>
    %jit3A_77 = arith.constant 0.000000e+00 : f32
    %broadcast_in_dim3A_78 = vector.broadcast %jit3A_77 : f32 to vector<1x4096xf32>
    %select_n3A_79 = arith.select %ge3A_76, %roll3A_73, %broadcast_in_dim3A_78 : vector<1x4096xi1>, vector<1x4096xf32>
    %add3A_80 = arith.addf %add3A_71, %select_n3A_79 : vector<1x4096xf32>
    %roll3A_81 = arith.constant 8 : i32
    %roll3A_82 = tpu.dynamic_rotate %add3A_80 by %roll3A_81 dim 1 : vector<1x4096xf32>, i32 -> vector<1x4096xf32>
    %ge3A_83 = arith.constant 8 : i32
    %ge3A_84 = vector.broadcast %ge3A_83 : i32 to vector<1x4096xi32>
    %ge3A_85 = arith.cmpi sge, %iota3A, %ge3A_84 : vector<1x4096xi32>
    %jit3A_86 = arith.constant 0.000000e+00 : f32
    %broadcast_in_dim3A_87 = vector.broadcast %jit3A_86 : f32 to vector<1x4096xf32>
    %select_n3A_88 = arith.select %ge3A_85, %roll3A_82, %broadcast_in_dim3A_87 : vector<1x4096xi1>, vector<1x4096xf32>
    %add3A_89 = arith.addf %add3A_80, %select_n3A_88 : vector<1x4096xf32>
    %roll3A_90 = arith.constant 16 : i32
    %roll3A_91 = tpu.dynamic_rotate %add3A_89 by %roll3A_90 dim 1 : vector<1x4096xf32>, i32 -> vector<1x4096xf32>
    %ge3A_92 = arith.constant 16 : i32
    %ge3A_93 = vector.broadcast %ge3A_92 : i32 to vector<1x4096xi32>
    %ge3A_94 = arith.cmpi sge, %iota3A, %ge3A_93 : vector<1x4096xi32>
    %jit3A_95 = arith.constant 0.000000e+00 : f32
    %broadcast_in_dim3A_96 = vector.broadcast %jit3A_95 : f32 to vector<1x4096xf32>
    %select_n3A_97 = arith.select %ge3A_94, %roll3A_91, %broadcast_in_dim3A_96 : vector<1x4096xi1>, vector<1x4096xf32>
    %add3A_98 = arith.addf %add3A_89, %select_n3A_97 : vector<1x4096xf32>
    %roll3A_99 = arith.constant 32 : i32
    %roll3A_100 = tpu.dynamic_rotate %add3A_98 by %roll3A_99 dim 1 : vector<1x4096xf32>, i32 -> vector<1x4096xf32>
    %ge3A_101 = arith.constant 32 : i32
    %ge3A_102 = vector.broadcast %ge3A_101 : i32 to vector<1x4096xi32>
    %ge3A_103 = arith.cmpi sge, %iota3A, %ge3A_102 : vector<1x4096xi32>
    %jit3A_104 = arith.constant 0.000000e+00 : f32
    %broadcast_in_dim3A_105 = vector.broadcast %jit3A_104 : f32 to vector<1x4096xf32>
    %select_n3A_106 = arith.select %ge3A_103, %roll3A_100, %broadcast_in_dim3A_105 : vector<1x4096xi1>, vector<1x4096xf32>
    %add3A_107 = arith.addf %add3A_98, %select_n3A_106 : vector<1x4096xf32>
    %roll3A_108 = arith.constant 64 : i32
    %roll3A_109 = tpu.dynamic_rotate %add3A_107 by %roll3A_108 dim 1 : vector<1x4096xf32>, i32 -> vector<1x4096xf32>
    %ge3A_110 = arith.constant 64 : i32
    %ge3A_111 = vector.broadcast %ge3A_110 : i32 to vector<1x4096xi32>
    %ge3A_112 = arith.cmpi sge, %iota3A, %ge3A_111 : vector<1x4096xi32>
    %jit3A_113 = arith.constant 0.000000e+00 : f32
    %broadcast_in_dim3A_114 = vector.broadcast %jit3A_113 : f32 to vector<1x4096xf32>
    %select_n3A_115 = arith.select %ge3A_112, %roll3A_109, %broadcast_in_dim3A_114 : vector<1x4096xi1>, vector<1x4096xf32>
    %add3A_116 = arith.addf %add3A_107, %select_n3A_115 : vector<1x4096xf32>
    %roll3A_117 = arith.constant 128 : i32
    %roll3A_118 = tpu.dynamic_rotate %add3A_116 by %roll3A_117 dim 1 : vector<1x4096xf32>, i32 -> vector<1x4096xf32>
    %ge3A_119 = arith.constant 128 : i32
    %ge3A_120 = vector.broadcast %ge3A_119 : i32 to vector<1x4096xi32>
    %ge3A_121 = arith.cmpi sge, %iota3A, %ge3A_120 : vector<1x4096xi32>
    %jit3A_122 = arith.constant 0.000000e+00 : f32
    %broadcast_in_dim3A_123 = vector.broadcast %jit3A_122 : f32 to vector<1x4096xf32>
    %select_n3A_124 = arith.select %ge3A_121, %roll3A_118, %broadcast_in_dim3A_123 : vector<1x4096xi1>, vector<1x4096xf32>
    %add3A_125 = arith.addf %add3A_116, %select_n3A_124 : vector<1x4096xf32>
    %roll3A_126 = arith.constant 256 : i32
    %roll3A_127 = tpu.dynamic_rotate %add3A_125 by %roll3A_126 dim 1 : vector<1x4096xf32>, i32 -> vector<1x4096xf32>
    %ge3A_128 = arith.constant 256 : i32
    %ge3A_129 = vector.broadcast %ge3A_128 : i32 to vector<1x4096xi32>
    %ge3A_130 = arith.cmpi sge, %iota3A, %ge3A_129 : vector<1x4096xi32>
    %jit3A_131 = arith.constant 0.000000e+00 : f32
    %broadcast_in_dim3A_132 = vector.broadcast %jit3A_131 : f32 to vector<1x4096xf32>
    %select_n3A_133 = arith.select %ge3A_130, %roll3A_127, %broadcast_in_dim3A_132 : vector<1x4096xi1>, vector<1x4096xf32>
    %add3A_134 = arith.addf %add3A_125, %select_n3A_133 : vector<1x4096xf32>
    %roll3A_135 = arith.constant 512 : i32
    %roll3A_136 = tpu.dynamic_rotate %add3A_134 by %roll3A_135 dim 1 : vector<1x4096xf32>, i32 -> vector<1x4096xf32>
    %ge3A_137 = arith.constant 512 : i32
    %ge3A_138 = vector.broadcast %ge3A_137 : i32 to vector<1x4096xi32>
    %ge3A_139 = arith.cmpi sge, %iota3A, %ge3A_138 : vector<1x4096xi32>
    %jit3A_140 = arith.constant 0.000000e+00 : f32
    %broadcast_in_dim3A_141 = vector.broadcast %jit3A_140 : f32 to vector<1x4096xf32>
    %select_n3A_142 = arith.select %ge3A_139, %roll3A_136, %broadcast_in_dim3A_141 : vector<1x4096xi1>, vector<1x4096xf32>
    %add3A_143 = arith.addf %add3A_134, %select_n3A_142 : vector<1x4096xf32>
    %roll3A_144 = arith.constant 1024 : i32
    %roll3A_145 = tpu.dynamic_rotate %add3A_143 by %roll3A_144 dim 1 : vector<1x4096xf32>, i32 -> vector<1x4096xf32>
    %ge3A_146 = arith.constant 1024 : i32
    %ge3A_147 = vector.broadcast %ge3A_146 : i32 to vector<1x4096xi32>
    %ge3A_148 = arith.cmpi sge, %iota3A, %ge3A_147 : vector<1x4096xi32>
    %jit3A_149 = arith.constant 0.000000e+00 : f32
    %broadcast_in_dim3A_150 = vector.broadcast %jit3A_149 : f32 to vector<1x4096xf32>
    %select_n3A_151 = arith.select %ge3A_148, %roll3A_145, %broadcast_in_dim3A_150 : vector<1x4096xi1>, vector<1x4096xf32>
    %add3A_152 = arith.addf %add3A_143, %select_n3A_151 : vector<1x4096xf32>
    %roll3A_153 = arith.constant 2048 : i32
    %roll3A_154 = tpu.dynamic_rotate %add3A_152 by %roll3A_153 dim 1 : vector<1x4096xf32>, i32 -> vector<1x4096xf32>
    %ge3A_155 = arith.constant 2048 : i32
    %ge3A_156 = vector.broadcast %ge3A_155 : i32 to vector<1x4096xi32>
    %ge3A_157 = arith.cmpi sge, %iota3A, %ge3A_156 : vector<1x4096xi32>
    %jit3A_158 = arith.constant 0.000000e+00 : f32
    %broadcast_in_dim3A_159 = vector.broadcast %jit3A_158 : f32 to vector<1x4096xf32>
    %select_n3A_160 = arith.select %ge3A_157, %roll3A_154, %broadcast_in_dim3A_159 : vector<1x4096xi1>, vector<1x4096xf32>
    %add3A_161 = arith.addf %add3A_152, %select_n3A_160 : vector<1x4096xf32>
    %add3A_162 = vector.broadcast %get3A_3 : f32 to vector<1x4096xf32>
    %add3A_163 = arith.addf %add3A_162, %add3A_161 : vector<1x4096xf32>
    %sub3A = arith.subf %add3A_163, %mul3A : vector<1x4096xf32>
    %get3A_164 = arith.constant 0 : index
    %get3A_165 = arith.constant 0 : index
    %get3A_166 = vector.load %arg5[%get3A_164, %get3A_165] : memref<1x4096xi32, #tpu.memory_space<vmem>>, vector<1x4096xi32>
    %roll3A_167 = arith.constant 1 : i32
    %roll3A_168 = tpu.dynamic_rotate %get3A_166 by %roll3A_167 dim 1 : vector<1x4096xi32>, i32 -> vector<1x4096xi32>
    %eq3A_169 = arith.constant 0 : i32
    %eq3A_170 = vector.broadcast %eq3A_169 : i32 to vector<1x4096xi32>
    %eq3A_171 = arith.cmpi eq, %iota3A, %eq3A_170 : vector<1x4096xi32>
    %broadcast_in_dim3A_172 = vector.broadcast %get3A_9 : i32 to vector<1x4096xi32>
    %select_n3A_173 = arith.select %eq3A_171, %broadcast_in_dim3A_172, %roll3A_168 : vector<1x4096xi1>, vector<1x4096xi32>
    %ne3A = arith.cmpi ne, %get3A_166, %select_n3A_173 : vector<1x4096xi32>
    %jit3A_174 = arith.constant 0.000000e+00 : f32
    %broadcast_in_dim3A_175 = vector.broadcast %jit3A_174 : f32 to vector<1x4096xf32>
    %select_n3A_176 = arith.select %ne3A, %sub3A, %broadcast_in_dim3A_175 : vector<1x4096xi1>, vector<1x4096xf32>
    %roll3A_177 = arith.constant 1 : i32
    %roll3A_178 = tpu.dynamic_rotate %select_n3A_176 by %roll3A_177 dim 1 : vector<1x4096xf32>, i32 -> vector<1x4096xf32>
    %ge3A_179 = arith.constant 1 : i32
    %ge3A_180 = vector.broadcast %ge3A_179 : i32 to vector<1x4096xi32>
    %ge3A_181 = arith.cmpi sge, %iota3A, %ge3A_180 : vector<1x4096xi32>
    %jit3A_182 = arith.constant 0.000000e+00 : f32
    %broadcast_in_dim3A_183 = vector.broadcast %jit3A_182 : f32 to vector<1x4096xf32>
    %select_n3A_184 = arith.select %ge3A_181, %roll3A_178, %broadcast_in_dim3A_183 : vector<1x4096xi1>, vector<1x4096xf32>
    %max3A_185 = arith.maximumf %select_n3A_176, %select_n3A_184 : vector<1x4096xf32>
    %roll3A_186 = arith.constant 2 : i32
    %roll3A_187 = tpu.dynamic_rotate %max3A_185 by %roll3A_186 dim 1 : vector<1x4096xf32>, i32 -> vector<1x4096xf32>
    %ge3A_188 = arith.constant 2 : i32
    %ge3A_189 = vector.broadcast %ge3A_188 : i32 to vector<1x4096xi32>
    %ge3A_190 = arith.cmpi sge, %iota3A, %ge3A_189 : vector<1x4096xi32>
    %jit3A_191 = arith.constant 0.000000e+00 : f32
    %broadcast_in_dim3A_192 = vector.broadcast %jit3A_191 : f32 to vector<1x4096xf32>
    %select_n3A_193 = arith.select %ge3A_190, %roll3A_187, %broadcast_in_dim3A_192 : vector<1x4096xi1>, vector<1x4096xf32>
    %max3A_194 = arith.maximumf %max3A_185, %select_n3A_193 : vector<1x4096xf32>
    %roll3A_195 = arith.constant 4 : i32
    %roll3A_196 = tpu.dynamic_rotate %max3A_194 by %roll3A_195 dim 1 : vector<1x4096xf32>, i32 -> vector<1x4096xf32>
    %ge3A_197 = arith.constant 4 : i32
    %ge3A_198 = vector.broadcast %ge3A_197 : i32 to vector<1x4096xi32>
    %ge3A_199 = arith.cmpi sge, %iota3A, %ge3A_198 : vector<1x4096xi32>
    %jit3A_200 = arith.constant 0.000000e+00 : f32
    %broadcast_in_dim3A_201 = vector.broadcast %jit3A_200 : f32 to vector<1x4096xf32>
    %select_n3A_202 = arith.select %ge3A_199, %roll3A_196, %broadcast_in_dim3A_201 : vector<1x4096xi1>, vector<1x4096xf32>
    %max3A_203 = arith.maximumf %max3A_194, %select_n3A_202 : vector<1x4096xf32>
    %roll3A_204 = arith.constant 8 : i32
    %roll3A_205 = tpu.dynamic_rotate %max3A_203 by %roll3A_204 dim 1 : vector<1x4096xf32>, i32 -> vector<1x4096xf32>
    %ge3A_206 = arith.constant 8 : i32
    %ge3A_207 = vector.broadcast %ge3A_206 : i32 to vector<1x4096xi32>
    %ge3A_208 = arith.cmpi sge, %iota3A, %ge3A_207 : vector<1x4096xi32>
    %jit3A_209 = arith.constant 0.000000e+00 : f32
    %broadcast_in_dim3A_210 = vector.broadcast %jit3A_209 : f32 to vector<1x4096xf32>
    %select_n3A_211 = arith.select %ge3A_208, %roll3A_205, %broadcast_in_dim3A_210 : vector<1x4096xi1>, vector<1x4096xf32>
    %max3A_212 = arith.maximumf %max3A_203, %select_n3A_211 : vector<1x4096xf32>
    %roll3A_213 = arith.constant 16 : i32
    %roll3A_214 = tpu.dynamic_rotate %max3A_212 by %roll3A_213 dim 1 : vector<1x4096xf32>, i32 -> vector<1x4096xf32>
    %ge3A_215 = arith.constant 16 : i32
    %ge3A_216 = vector.broadcast %ge3A_215 : i32 to vector<1x4096xi32>
    %ge3A_217 = arith.cmpi sge, %iota3A, %ge3A_216 : vector<1x4096xi32>
    %jit3A_218 = arith.constant 0.000000e+00 : f32
    %broadcast_in_dim3A_219 = vector.broadcast %jit3A_218 : f32 to vector<1x4096xf32>
    %select_n3A_220 = arith.select %ge3A_217, %roll3A_214, %broadcast_in_dim3A_219 : vector<1x4096xi1>, vector<1x4096xf32>
    %max3A_221 = arith.maximumf %max3A_212, %select_n3A_220 : vector<1x4096xf32>
    %roll3A_222 = arith.constant 32 : i32
    %roll3A_223 = tpu.dynamic_rotate %max3A_221 by %roll3A_222 dim 1 : vector<1x4096xf32>, i32 -> vector<1x4096xf32>
    %ge3A_224 = arith.constant 32 : i32
    %ge3A_225 = vector.broadcast %ge3A_224 : i32 to vector<1x4096xi32>
    %ge3A_226 = arith.cmpi sge, %iota3A, %ge3A_225 : vector<1x4096xi32>
    %jit3A_227 = arith.constant 0.000000e+00 : f32
    %broadcast_in_dim3A_228 = vector.broadcast %jit3A_227 : f32 to vector<1x4096xf32>
    %select_n3A_229 = arith.select %ge3A_226, %roll3A_223, %broadcast_in_dim3A_228 : vector<1x4096xi1>, vector<1x4096xf32>
    %max3A_230 = arith.maximumf %max3A_221, %select_n3A_229 : vector<1x4096xf32>
    %roll3A_231 = arith.constant 64 : i32
    %roll3A_232 = tpu.dynamic_rotate %max3A_230 by %roll3A_231 dim 1 : vector<1x4096xf32>, i32 -> vector<1x4096xf32>
    %ge3A_233 = arith.constant 64 : i32
    %ge3A_234 = vector.broadcast %ge3A_233 : i32 to vector<1x4096xi32>
    %ge3A_235 = arith.cmpi sge, %iota3A, %ge3A_234 : vector<1x4096xi32>
    %jit3A_236 = arith.constant 0.000000e+00 : f32
    %broadcast_in_dim3A_237 = vector.broadcast %jit3A_236 : f32 to vector<1x4096xf32>
    %select_n3A_238 = arith.select %ge3A_235, %roll3A_232, %broadcast_in_dim3A_237 : vector<1x4096xi1>, vector<1x4096xf32>
    %max3A_239 = arith.maximumf %max3A_230, %select_n3A_238 : vector<1x4096xf32>
    %roll3A_240 = arith.constant 128 : i32
    %roll3A_241 = tpu.dynamic_rotate %max3A_239 by %roll3A_240 dim 1 : vector<1x4096xf32>, i32 -> vector<1x4096xf32>
    %ge3A_242 = arith.constant 128 : i32
    %ge3A_243 = vector.broadcast %ge3A_242 : i32 to vector<1x4096xi32>
    %ge3A_244 = arith.cmpi sge, %iota3A, %ge3A_243 : vector<1x4096xi32>
    %jit3A_245 = arith.constant 0.000000e+00 : f32
    %broadcast_in_dim3A_246 = vector.broadcast %jit3A_245 : f32 to vector<1x4096xf32>
    %select_n3A_247 = arith.select %ge3A_244, %roll3A_241, %broadcast_in_dim3A_246 : vector<1x4096xi1>, vector<1x4096xf32>
    %max3A_248 = arith.maximumf %max3A_239, %select_n3A_247 : vector<1x4096xf32>
    %roll3A_249 = arith.constant 256 : i32
    %roll3A_250 = tpu.dynamic_rotate %max3A_248 by %roll3A_249 dim 1 : vector<1x4096xf32>, i32 -> vector<1x4096xf32>
    %ge3A_251 = arith.constant 256 : i32
    %ge3A_252 = vector.broadcast %ge3A_251 : i32 to vector<1x4096xi32>
    %ge3A_253 = arith.cmpi sge, %iota3A, %ge3A_252 : vector<1x4096xi32>
    %jit3A_254 = arith.constant 0.000000e+00 : f32
    %broadcast_in_dim3A_255 = vector.broadcast %jit3A_254 : f32 to vector<1x4096xf32>
    %select_n3A_256 = arith.select %ge3A_253, %roll3A_250, %broadcast_in_dim3A_255 : vector<1x4096xi1>, vector<1x4096xf32>
    %max3A_257 = arith.maximumf %max3A_248, %select_n3A_256 : vector<1x4096xf32>
    %roll3A_258 = arith.constant 512 : i32
    %roll3A_259 = tpu.dynamic_rotate %max3A_257 by %roll3A_258 dim 1 : vector<1x4096xf32>, i32 -> vector<1x4096xf32>
    %ge3A_260 = arith.constant 512 : i32
    %ge3A_261 = vector.broadcast %ge3A_260 : i32 to vector<1x4096xi32>
    %ge3A_262 = arith.cmpi sge, %iota3A, %ge3A_261 : vector<1x4096xi32>
    %jit3A_263 = arith.constant 0.000000e+00 : f32
    %broadcast_in_dim3A_264 = vector.broadcast %jit3A_263 : f32 to vector<1x4096xf32>
    %select_n3A_265 = arith.select %ge3A_262, %roll3A_259, %broadcast_in_dim3A_264 : vector<1x4096xi1>, vector<1x4096xf32>
    %max3A_266 = arith.maximumf %max3A_257, %select_n3A_265 : vector<1x4096xf32>
    %roll3A_267 = arith.constant 1024 : i32
    %roll3A_268 = tpu.dynamic_rotate %max3A_266 by %roll3A_267 dim 1 : vector<1x4096xf32>, i32 -> vector<1x4096xf32>
    %ge3A_269 = arith.constant 1024 : i32
    %ge3A_270 = vector.broadcast %ge3A_269 : i32 to vector<1x4096xi32>
    %ge3A_271 = arith.cmpi sge, %iota3A, %ge3A_270 : vector<1x4096xi32>
    %jit3A_272 = arith.constant 0.000000e+00 : f32
    %broadcast_in_dim3A_273 = vector.broadcast %jit3A_272 : f32 to vector<1x4096xf32>
    %select_n3A_274 = arith.select %ge3A_271, %roll3A_268, %broadcast_in_dim3A_273 : vector<1x4096xi1>, vector<1x4096xf32>
    %max3A_275 = arith.maximumf %max3A_266, %select_n3A_274 : vector<1x4096xf32>
    %roll3A_276 = arith.constant 2048 : i32
    %roll3A_277 = tpu.dynamic_rotate %max3A_275 by %roll3A_276 dim 1 : vector<1x4096xf32>, i32 -> vector<1x4096xf32>
    %ge3A_278 = arith.constant 2048 : i32
    %ge3A_279 = vector.broadcast %ge3A_278 : i32 to vector<1x4096xi32>
    %ge3A_280 = arith.cmpi sge, %iota3A, %ge3A_279 : vector<1x4096xi32>
    %jit3A_281 = arith.constant 0.000000e+00 : f32
    %broadcast_in_dim3A_282 = vector.broadcast %jit3A_281 : f32 to vector<1x4096xf32>
    %select_n3A_283 = arith.select %ge3A_280, %roll3A_277, %broadcast_in_dim3A_282 : vector<1x4096xi1>, vector<1x4096xf32>
    %max3A_284 = arith.maximumf %max3A_275, %select_n3A_283 : vector<1x4096xf32>
    %max3A_285 = vector.broadcast %get3A_6 : f32 to vector<1x4096xf32>
    %max3A_286 = arith.maximumf %max3A_284, %max3A_285 : vector<1x4096xf32>
    %sub3A_287 = arith.subf %sub3A, %max3A_286 : vector<1x4096xf32>
    %neg3A_288 = arith.constant 0.000000e+00 : f32
    %neg3A_289 = vector.broadcast %neg3A_288 : f32 to vector<1x4096xf32>
    %neg3A_290 = arith.subf %neg3A_289, %sub3A_287 : vector<1x4096xf32>
    %exp3A_291 = math.exp %neg3A_290 : vector<1x4096xf32>
    %add3A_292 = arith.addf %sub3A_287, %mul3A : vector<1x4096xf32>
    %neg3A_293 = arith.constant 0.000000e+00 : f32
    %neg3A_294 = vector.broadcast %neg3A_293 : f32 to vector<1x4096xf32>
    %neg3A_295 = arith.subf %neg3A_294, %add3A_292 : vector<1x4096xf32>
    %exp3A_296 = math.exp %neg3A_295 : vector<1x4096xf32>
    %sub3A_297 = arith.subf %exp3A_291, %exp3A_296 : vector<1x4096xf32>
    %mul3A_298 = vector.broadcast %sub3A_297 : vector<1x4096xf32> to vector<3x4096xf32>
    %mul3A_299 = arith.mulf %div3A_43, %mul3A_298 : vector<3x4096xf32>
    %get3A_300 = arith.constant 0 : index
    %get3A_301 = arith.constant 0 : index
    %get3A_302 = vector.load %arg3[%get3A_300, %get3A_301] : memref<1x4096xf32, #tpu.memory_space<vmem>>, vector<1x4096xf32>
    %mul3A_303 = arith.mulf %get3A_302, %sub3A_297 : vector<1x4096xf32>
    %broadcast_in_dim3A_304 = arith.constant 0.000000e+00 : f32
    %broadcast_in_dim3A_305 = vector.broadcast %broadcast_in_dim3A_304 : f32 to vector<3x4096xf32>
    %concatenate3A_306 = tpu.concatenate %mul3A_299, %mul3A_303, %sub3A_297, %broadcast_in_dim3A_305 in 0 : vector<3x4096xf32>, vector<1x4096xf32>, vector<1x4096xf32>, vector<3x4096xf32> -> vector<8x4096xf32>
    %transpose3A_307 = tpu.transpose %concatenate3A_306, [1, 0] : vector<8x4096xf32> -> vector<4096x8xf32>
    %swap3A = arith.constant 0 : index
    %swap3A_308 = arith.constant 0 : index
    %swap3A_309 = vector.load %arg10[%swap3A, %swap3A_308] : memref<4096x8xf32, #tpu.memory_space<vmem>>, vector<4096x8xf32>
    tpu.vector_store %arg10[%swap3A, %swap3A_308], %transpose3A_307 {strides = array<i32>} : memref<4096x8xf32, #tpu.memory_space<vmem>>, vector<4096x8xf32>,
    %eq3A_310 = arith.constant 4095 : i32
    %eq3A_311 = vector.broadcast %eq3A_310 : i32 to vector<1x4096xi32>
    %eq3A_312 = arith.cmpi eq, %iota3A, %eq3A_311 : vector<1x4096xi32>
    %jit3A_313 = arith.constant 0.000000e+00 : f32
    %broadcast_in_dim3A_314 = vector.broadcast %jit3A_313 : f32 to vector<1x4096xf32>
    %select_n3A_315 = arith.select %eq3A_312, %add3A_161, %broadcast_in_dim3A_314 : vector<1x4096xi1>, vector<1x4096xf32>
    %reduce_sum3A = vector.shape_cast %select_n3A_315 : vector<1x4096xf32> to vector<1x1x4096xf32>
    %reduce_sum3A_316 = arith.constant dense<0.000000e+00> : vector<1xf32>
    %reduce_sum3A_317 = vector.multi_reduction <add>, %reduce_sum3A, %reduce_sum3A_316 [1, 2] : vector<1x1x4096xf32> to vector<1xf32>
    %reduce_sum3A_318 = vector.shape_cast %reduce_sum3A_317 : vector<1xf32> to vector<1x1x1xf32>
    %reduce_sum3A_319 = vector.extract %reduce_sum3A_318[0, 0, 0] : f32 from vector<1x1x1xf32>
    %add3A_320 = arith.addf %get3A_3, %reduce_sum3A_319 : f32
    %swap3A_321 = arith.constant 0 : index
    %swap3A_322 = arith.constant 0 : index
    %swap3A_323 = memref.load %arg11[%swap3A_321, %swap3A_322] : memref<1x1xf32, #tpu.memory_space<smem>>
    memref.store %add3A_320, %arg11[%swap3A_321, %swap3A_322] : memref<1x1xf32, #tpu.memory_space<smem>>
    %jit3A_324 = arith.constant 0.000000e+00 : f32
    %broadcast_in_dim3A_325 = vector.broadcast %jit3A_324 : f32 to vector<1x4096xf32>
    %select_n3A_326 = arith.select %eq3A_312, %max3A_286, %broadcast_in_dim3A_325 : vector<1x4096xi1>, vector<1x4096xf32>
    %reduce_sum3A_327 = vector.shape_cast %select_n3A_326 : vector<1x4096xf32> to vector<1x1x4096xf32>
    %reduce_sum3A_328 = arith.constant dense<0.000000e+00> : vector<1xf32>
    %reduce_sum3A_329 = vector.multi_reduction <add>, %reduce_sum3A_327, %reduce_sum3A_328 [1, 2] : vector<1x1x4096xf32> to vector<1xf32>
    %reduce_sum3A_330 = vector.shape_cast %reduce_sum3A_329 : vector<1xf32> to vector<1x1x1xf32>
    %reduce_sum3A_331 = vector.extract %reduce_sum3A_330[0, 0, 0] : f32 from vector<1x1x1xf32>
    %swap3A_332 = arith.constant 0 : index
    %swap3A_333 = arith.constant 0 : index
    %swap3A_334 = memref.load %arg12[%swap3A_332, %swap3A_333] : memref<1x1xf32, #tpu.memory_space<smem>>
    memref.store %reduce_sum3A_331, %arg12[%swap3A_332, %swap3A_333] : memref<1x1xf32, #tpu.memory_space<smem>>
    %jit3A_335 = arith.constant 0 : i32
    %broadcast_in_dim3A_336 = vector.broadcast %jit3A_335 : i32 to vector<1x4096xi32>
    %select_n3A_337 = arith.select %eq3A_312, %get3A_166, %broadcast_in_dim3A_336 : vector<1x4096xi1>, vector<1x4096xi32>
    %reduce_sum3A_338 = vector.shape_cast %select_n3A_337 : vector<1x4096xi32> to vector<1x1x4096xi32>
    %reduce_sum3A_339 = arith.constant dense<0> : vector<1xi32>
    %reduce_sum3A_340 = vector.multi_reduction <add>, %reduce_sum3A_338, %reduce_sum3A_339 [1, 2] : vector<1x1x4096xi32> to vector<1xi32>
    %reduce_sum3A_341 = vector.shape_cast %reduce_sum3A_340 : vector<1xi32> to vector<1x1x1xi32>
    %reduce_sum3A_342 = vector.extract %reduce_sum3A_341[0, 0, 0] : i32 from vector<1x1x1xi32>
    %swap3A_343 = arith.constant 0 : index
    %swap3A_344 = arith.constant 0 : index
    %swap3A_345 = memref.load %arg13[%swap3A_343, %swap3A_344] : memref<1x1xi32, #tpu.memory_space<smem>>
    memref.store %reduce_sum3A_342, %arg13[%swap3A_343, %swap3A_344] : memref<1x1xi32, #tpu.memory_space<smem>>
    return
  }
  func.func @transform_0(%arg0: i32) -> (i32, i32) {
    %c0_i32 = arith.constant 0 : i32
    %c0_i32_0 = arith.constant 0 : i32
    return %c0_i32, %arg0 : i32, i32
  }
  func.func @transform_1(%arg0: i32) -> (i32, i32) {
    %c0_i32 = arith.constant 0 : i32
    %c0_i32_0 = arith.constant 0 : i32
    return %arg0, %c0_i32 : i32, i32
  }
  func.func @transform_2(%arg0: i32) -> (i32, i32) {
    %c0_i32 = arith.constant 0 : i32
    %c0_i32_0 = arith.constant 0 : i32
    return %c0_i32, %arg0 : i32, i32
  }
  func.func @transform_3(%arg0: i32) -> (i32, i32) {
    %c0_i32 = arith.constant 0 : i32
    %c0_i32_0 = arith.constant 0 : i32
    return %c0_i32, %arg0 : i32, i32
  }
  func.func @transform_4(%arg0: i32) -> (i32, i32) {
    %c0_i32 = arith.constant 0 : i32
    %c0_i32_0 = arith.constant 0 : i32
    return %c0_i32, %arg0 : i32, i32
  }
  func.func @transform_5(%arg0: i32) -> (i32, i32) {
    %c0_i32 = arith.constant 0 : i32
    %c0_i32_0 = arith.constant 0 : i32
    %c0_i32_1 = arith.constant 0 : i32
    return %c0_i32, %c0_i32_0 : i32, i32
  }
  func.func @transform_6(%arg0: i32) -> (i32, i32) {
    %c0_i32 = arith.constant 0 : i32
    %c0_i32_0 = arith.constant 0 : i32
    %c0_i32_1 = arith.constant 0 : i32
    return %c0_i32, %c0_i32_0 : i32, i32
  }
  func.func @transform_7(%arg0: i32) -> (i32, i32) {
    %c0_i32 = arith.constant 0 : i32
    %c0_i32_0 = arith.constant 0 : i32
    %c0_i32_1 = arith.constant 0 : i32
    return %c0_i32, %c0_i32_0 : i32, i32
  }
  func.func @transform_8(%arg0: i32) -> (i32, i32) {
    %c0_i32 = arith.constant 0 : i32
    %c0_i32_0 = arith.constant 0 : i32
    %c0_i32_1 = arith.constant 0 : i32
    return %c0_i32, %c0_i32_0 : i32, i32
  }
  func.func @transform_9(%arg0: i32) -> (i32, i32) {
    %c0_i32 = arith.constant 0 : i32
    %c0_i32_0 = arith.constant 0 : i32
    return %arg0, %c0_i32 : i32, i32
  }
}

module attributes {stable_mosaic.version = 14 : i64} {
  func.func @_compose_body(%arg0: i32, %arg1: memref<2048x8xf32, #tpu.memory_space<vmem>>, %arg2: memref<2048x8xf32, #tpu.memory_space<vmem>>, %arg3: memref<2048x3xf32, #tpu.memory_space<vmem>>, %arg4: memref<2048x1xf32, #tpu.memory_space<vmem>>, %arg5: memref<2048x1xf32, #tpu.memory_space<vmem>>, %arg6: memref<2048x1xi32, #tpu.memory_space<vmem>>) attributes {dimension_semantics = [#tpu.dimension_semantics<arbitrary>], iteration_bounds = array<i64: 8>, scalar_prefetch = 0 : i64, scratch_operands = 0 : i64, tpu.core_type = #tpu.core_type<tc>, window_params = [{transform_indices = @transform_0, window_bounds = array<i64: 2048, 8>}, {transform_indices = @transform_1, window_bounds = array<i64: 2048, 8>}, {transform_indices = @transform_2, window_bounds = array<i64: 2048, 3>}, {transform_indices = @transform_3, window_bounds = array<i64: 2048, 1>}, {transform_indices = @transform_4, window_bounds = array<i64: 2048, 1>}, {transform_indices = @transform_5, window_bounds = array<i64: 2048, 1>}]} {
    %get3A = arith.constant 0 : index
    %get3A_0 = arith.constant 0 : index
    %get3A_1 = vector.load %arg1[%get3A, %get3A_0] : memref<2048x8xf32, #tpu.memory_space<vmem>>, vector<2048x8xf32>
    %get3A_2 = arith.constant 0 : index
    %get3A_3 = arith.constant 0 : index
    %get3A_4 = vector.load %arg2[%get3A_2, %get3A_3] : memref<2048x8xf32, #tpu.memory_space<vmem>>, vector<2048x8xf32>
    %add3A = arith.addf %get3A_1, %get3A_4 : vector<2048x8xf32>
    %slice3A = vector.extract_strided_slice %add3A {offsets = [0, 4], sizes = [2048, 1], strides = [1, 1]} : vector<2048x8xf32> to vector<2048x1xf32>
    %sub3A = arith.constant 1.000000e+00 : f32
    %sub3A_5 = vector.broadcast %sub3A : f32 to vector<2048x1xf32>
    %sub3A_6 = arith.subf %sub3A_5, %slice3A : vector<2048x1xf32>
    %slice3A_7 = vector.extract_strided_slice %add3A {offsets = [0, 0], sizes = [2048, 3], strides = [1, 1]} : vector<2048x8xf32> to vector<2048x3xf32>
    %mul3A = vector.broadcast %slice3A : vector<2048x1xf32> to vector<2048x3xf32>
    %mul3A_8 = arith.mulf %mul3A, %slice3A_7 : vector<2048x3xf32>
    %add3A_9 = vector.broadcast %sub3A_6 : vector<2048x1xf32> to vector<2048x3xf32>
    %add3A_10 = arith.addf %add3A_9, %mul3A_8 : vector<2048x3xf32>
    %swap3A = arith.constant 0 : index
    %swap3A_11 = arith.constant 0 : index
    %swap3A_12 = vector.load %arg3[%swap3A, %swap3A_11] : memref<2048x3xf32, #tpu.memory_space<vmem>>, vector<2048x3xf32>
    tpu.vector_store %arg3[%swap3A, %swap3A_11], %add3A_10 {strides = array<i32>} : memref<2048x3xf32, #tpu.memory_space<vmem>>, vector<2048x3xf32>,
    %slice3A_13 = vector.extract_strided_slice %add3A {offsets = [0, 3], sizes = [2048, 1], strides = [1, 1]} : vector<2048x8xf32> to vector<2048x1xf32>
    %swap3A_14 = arith.constant 0 : index
    %swap3A_15 = arith.constant 0 : index
    %swap3A_16 = vector.load %arg4[%swap3A_14, %swap3A_15] : memref<2048x1xf32, #tpu.memory_space<vmem>>, vector<2048x1xf32>
    tpu.vector_store %arg4[%swap3A_14, %swap3A_15], %slice3A_13 {strides = array<i32>} : memref<2048x1xf32, #tpu.memory_space<vmem>>, vector<2048x1xf32>,
    %swap3A_17 = arith.constant 0 : index
    %swap3A_18 = arith.constant 0 : index
    %swap3A_19 = vector.load %arg5[%swap3A_17, %swap3A_18] : memref<2048x1xf32, #tpu.memory_space<vmem>>, vector<2048x1xf32>
    tpu.vector_store %arg5[%swap3A_17, %swap3A_18], %slice3A {strides = array<i32>} : memref<2048x1xf32, #tpu.memory_space<vmem>>, vector<2048x1xf32>,
    %gt3A = arith.constant 0.000000e+00 : f32
    %gt3A_20 = vector.broadcast %gt3A : f32 to vector<2048x1xf32>
    %gt3A_21 = arith.cmpf ogt, %slice3A, %gt3A_20 : vector<2048x1xf32>
    %convert_element_type3A = arith.extui %gt3A_21 : vector<2048x1xi1> to vector<2048x1xi32>
    %swap3A_22 = arith.constant 0 : index
    %swap3A_23 = arith.constant 0 : index
    %swap3A_24 = vector.load %arg6[%swap3A_22, %swap3A_23] : memref<2048x1xi32, #tpu.memory_space<vmem>>, vector<2048x1xi32>
    tpu.vector_store %arg6[%swap3A_22, %swap3A_23], %convert_element_type3A {strides = array<i32>} : memref<2048x1xi32, #tpu.memory_space<vmem>>, vector<2048x1xi32>,
    return
  }
  func.func @transform_0(%arg0: i32) -> (i32, i32) {
    %c0_i32 = arith.constant 0 : i32
    %c0_i32_0 = arith.constant 0 : i32
    return %arg0, %c0_i32 : i32, i32
  }
  func.func @transform_1(%arg0: i32) -> (i32, i32) {
    %c0_i32 = arith.constant 0 : i32
    %c0_i32_0 = arith.constant 0 : i32
    return %arg0, %c0_i32 : i32, i32
  }
  func.func @transform_2(%arg0: i32) -> (i32, i32) {
    %c0_i32 = arith.constant 0 : i32
    %c0_i32_0 = arith.constant 0 : i32
    return %arg0, %c0_i32 : i32, i32
  }
  func.func @transform_3(%arg0: i32) -> (i32, i32) {
    %c0_i32 = arith.constant 0 : i32
    %c0_i32_0 = arith.constant 0 : i32
    return %arg0, %c0_i32 : i32, i32
  }
  func.func @transform_4(%arg0: i32) -> (i32, i32) {
    %c0_i32 = arith.constant 0 : i32
    %c0_i32_0 = arith.constant 0 : i32
    return %arg0, %c0_i32 : i32, i32
  }
  func.func @transform_5(%arg0: i32) -> (i32, i32) {
    %c0_i32 = arith.constant 0 : i32
    %c0_i32_0 = arith.constant 0 : i32
    return %arg0, %c0_i32 : i32, i32
  }
}

</mosaic_0001>

<sc_bundles>
// kernel: kernel.6.cloned.1.call-start
scs
__scs_entry_jumppad:
0x0: {  	(pc) =	sbr.rel $0x88, $3  }
0x1: {  	(tag) =	ssettag $0x0;
	lr =	simm.s32 $0x1  }
0x2: {  	[smem:$0x3F98] =	sst lr;
	_ =	strace $0xD0000000  }
0x3: {  	_ = 	snop  }
0x4: {  	_ = 	snop  }
0x5: {  	_ = 	snop  }
0x6: {  	_ = 	snop  }
0x7: {  	_ = 	snop  }
__scs_overlays_trampoline_lowered:
0x8: {  	[smem:$0x3FA7] =	sst s0  }
0x9: {  	[smem:$0x3FA8] =	sst s1  }
0xa: {  	[smem:$0x3FA9] =	sst s2  }
0xb: {  	[smem:$0x3FAA] =	sst s3  }
0xc: {  	[smem:$0x3FAB] =	sst s4  }
0xd: {  	[smem:$0x3FAC] =	sst s5  }
0xe: {  	[smem:$0x3FAD] =	sst s6  }
0xf: {  	[smem:$0x3FAE] =	sst s7  }
0x10: {  	[smem:$0x3FAF] =	sst s8  }
0x11: {  	[smem:$0x3FB0] =	sst s9;
	s0 =	simm.s32 @!p0 $0x0  }
0x12: {  	s1 =	sld [smem:$0x3F96];
	s0 =	simm.s32 @p0 $0x1  }
0x13: {  	[smem:$0x3FB1] =	sst s0;
	s0 =	simm.s32 @!p1 $0x0  }
0x14: {  	s2 =	sld [smem:$0x3F95];
	s0 =	simm.s32 @p1 $0x1  }
0x15: {  	[smem:$0x3FB2] =	sst s0;
	s0 =	simm.s32 @!p2 $0x0  }
0x16: {  	s3 =	sld [smem:$0x3FDB];
	s0 =	simm.s32 @p2 $0x1  }
0x17: {  	s4 =	simm.s32 $0x1BF5;
	[smem:$0x3FB4] =	sst s0  }
0x18: {  	s0 =	sld [smem:$0x3F97];
	_ =	swait.ge [sflag:s4], $0x0  }
0x19: {  	s7 =	sld [smem:$0x3F98]  }
0x1a: {  	s8 =	sadd.s32 $0xFFFFE003, lr  }
0x1b: {  	s9 =	sadd.s32 $0xFFFFFEF7, lr;
	s5 =	simm.s32 $0xFFFFFFFF;
	p2 =	slt.u32 s8, $0xFFFFF086  }
0x1c: {  	p1 =	slt.u32 s9, $0xF7A;
	s5 =	simm.s32 @!p2 $0x0  }
0x1d: {  	s5 =	simm.s32 @p1 $0x1;
	p0 =	seq.s32 s7, s2  }
0x1e: {  	s7 =	smul.u32 @!p0 $0xF7A, s2;
	p2 =	seq.s32 @!p0 s5, $0x0  }
0x1f: {  	s9 =	smul.u32 $0xF7A, s1;
	s8 =	simm.s32 @!p0 $0x1BF5;
	p2 =	por !p2, p0  }
0x20: {  	[sflag:s8] =	ssyncset.s32 @!p0 $0xFFFFF086;
	s6 =	sadd.s32 @!p0 s3, s7;
	s7 =	simm.s32 @!p0 $0x108  }
0x21: {  	s3 =	sadd.s32 s3, s9;
	s6 =	sadd.s32 @!p0 $0x88, s6;
	s7 =	simm.s32 @p2 $0x1082  }
0x22: {  	[simem:s7], [sflag:s8] =	dma.local @!p0 [hbm:s6], $0xF7A  }
0x23: {  	s9 =	sor.u32 $0xD0000000, s2;
	s6 =	simm.s32 $0x108;
	_ =	swait.ge @!p0 [sflag:s8], $0x0  }
0x24: {  	s3 =	sadd.s32 $0x88, s3;
	s6 =	simm.s32 @!p1 $0x1082;
	[sflag:s4] =	ssyncset.s32 $0xFFFFF086  }
0x25: {  	[simem:s6], [sflag:s4] =	dma.local [hbm:s3], $0xF7A  }
0x26: {  	[smem:$0x3F98] =	sst s1;
	(tag) =	ssettag s2;
	_ =	strace s9  }
0x27: {  	s1 =	sld [smem:$0x3FA8]  }
0x28: {  	s2 =	sld [smem:$0x3FA9]  }
0x29: {  	s4 =	sld [smem:$0x3FAB]  }
0x2a: {  	p0 =	seq.s32 s5, $0x0;
	s5 =	sld [smem:$0x3FAC]  }
0x2b: {  	s6 =	sld [smem:$0x3FAD]  }
0x2c: {  	s7 =	sld [smem:$0x3FAE]  }
0x2d: {  	s3 =	simm.s32 $0x108;
	s8 =	sld [smem:$0x3FAF]  }
0x2e: {  	s3 =	simm.s32 @!p0 $0x1082;
	s9 =	sld [smem:$0x3FB0]  }
0x2f: {  	lr =	sadd.s32 s0, s3;
	s0 =	sld [smem:$0x3FA7]  }
0x30: {  	s3 =	sld [smem:$0x3FAA]  }
0x31: {  	[smem:$0x3FB3] =	sst s10  }
0x32: {  	s10 =	sld [smem:$0x3FB1];
	_ =	sdelay $0x3  }
0x33: {  	p0 =	seq.s32 s10, $0x1;
	s10 =	sld [smem:$0x3FB3];
	_ =	sdelay $0x3  }
0x34: {  	[smem:$0x3FB3] =	sst s10  }
0x35: {  	s10 =	sld [smem:$0x3FB2];
	_ =	sdelay $0x3  }
0x36: {  	p1 =	seq.s32 s10, $0x1;
	s10 =	sld [smem:$0x3FB3];
	_ =	sdelay $0x3  }
0x37: {  	[smem:$0x3FB3] =	sst s10  }
0x38: {  	s10 =	sld [smem:$0x3FB4]  }
0x39: {  	_ = 	snop;
	(pc) =	sbr.ind lr, $3  }
0x3a: {  	_ = 	snop  }
0x3b: {  	_ = 	snop  }
0x3c: {  	p2 =	seq.s32 s10, $0x1;
	s10 =	sld [smem:$0x3FB3]  }
0x3d: {  	_ =	shalt  }
0x3e: {  	_ =	shalt  }
0x3f: {  	_ =	shalt  }
0x40: {  	_ =	shalt  }
0x41: {  	_ =	shalt  }
0x42: {  	_ =	shalt  }
0x43: {  	_ =	shalt  }
0x44: {  	_ =	shalt  }
0x45: {  	_ =	shalt  }
0x46: {  	_ =	shalt  }
0x47: {  	_ =	shalt  }
0x48: {  	_ =	shalt  }
0x49: {  	_ =	shalt  }
0x4a: {  	_ =	shalt  }
0x4b: {  	_ =	shalt  }
0x4c: {  	_ =	shalt  }
0x4d: {  	_ =	shalt  }
0x4e: {  	_ =	shalt  }
0x4f: {  	_ =	shalt  }
0x50: {  	_ =	shalt  }
0x51: {  	_ =	shalt  }
0x52: {  	_ =	shalt  }
0x53: {  	_ =	shalt  }
0x54: {  	_ =	shalt  }
0x55: {  	_ =	shalt  }
0x56: {  	_ =	shalt  }
0x57: {  	_ =	shalt  }
0x58: {  	_ =	shalt  }
0x59: {  	_ =	shalt  }
0x5a: {  	_ =	shalt  }
0x5b: {  	_ =	shalt  }
0x5c: {  	_ =	shalt  }
0x5d: {  	_ =	shalt  }
0x5e: {  	_ =	shalt  }
0x5f: {  	_ =	shalt  }
0x60: {  	_ =	shalt  }
0x61: {  	_ =	shalt  }
0x62: {  	_ =	shalt  }
0x63: {  	_ =	shalt  }
0x64: {  	_ =	shalt  }
0x65: {  	_ =	shalt  }
0x66: {  	_ =	shalt  }
0x67: {  	_ =	shalt  }
0x68: {  	_ =	shalt  }
0x69: {  	_ =	shalt  }
0x6a: {  	_ =	shalt  }
0x6b: {  	_ =	shalt  }
0x6c: {  	_ =	shalt  }
0x6d: {  	_ =	shalt  }
0x6e: {  	_ =	shalt  }
0x6f: {  	_ =	shalt  }
0x70: {  	_ =	shalt  }
0x71: {  	_ =	shalt  }
0x72: {  	_ =	shalt  }
0x73: {  	_ =	shalt  }
0x74: {  	_ =	shalt  }
0x75: {  	_ =	shalt  }
0x76: {  	_ =	shalt  }
0x77: {  	_ =	shalt  }
0x78: {  	_ =	shalt  }
0x79: {  	_ =	shalt  }
0x7a: {  	_ =	shalt  }
0x7b: {  	_ =	shalt  }
0x7c: {  	_ =	shalt  }
0x7d: {  	_ =	shalt  }
0x7e: {  	_ =	shalt  }
0x7f: {  	_ =	shalt  }
0x80: {  	_ =	shalt  }
0x81: {  	_ =	shalt  }
0x82: {  	_ =	shalt  }
0x83: {  	_ =	shalt  }
0x84: {  	_ =	shalt  }
0x85: {  	_ =	shalt  }
0x86: {  	_ =	shalt  }
0x87: {  	_ =	shalt  }
.Lfunc_end0:
.L_simem_size_0:
called_computation_lowered:
.L_overlay_start_0:
0x88: {  	s2 =	sld [smem:$0x3FD9]  }
0x89: {  	s3 =	sld [smem:$0x3FFE];
	_ =	sdelay $0x1  }
0x8a: {  	s1 =	srdreg.scid  }
0x8b: {  	s0 =	sand.u32 $0x1, s1  }
0x8c: {  	s17 =	sshll.u32 s0, $0xA;
	s2 =	sadd.s32 s3, s2  }
0x8d: {  	s2 =	sadd.s32 s2, s17  }
0x8e: {  	[smem:$0x3FBF] =	sst s2  }
0x8f: {  	_ = 	snop  }
0x90: {  	s2 =	sld [smem:$0x3FC8];
	(tm) =	ssettm $0x1  }
0x91: {  	s18 =	sld [smem:$0x3FFB];
	_ =	sdelay $0x3  }
0x92: {  	_ =	strace s18  }
0x93: {  	s3 =	sld [smem:$0x3FFC];
	_ =	sdelay $0x3  }
0x94: {  	_ =	strace s3  }
0x95: {  	s3 =	sld [smem:$0x3FFD];
	_ =	sdelay $0x3  }
0x96: {  	_ =	strace s3  }
0x97: {  	_ =	strace $0x8FFFFFFF  }
0x98: {  	s19 =	sld [smem:$0x3FDB];
	_ =	sdelay $0x1  }
0x99: {  	s4 =	simm.s32 $_scs_section_size  }
0x9a: {  	s5 =	simm.s32 $_size__tile_overlayer_lowered;
	s6 =	simm.s32 $_tile_overlayer_lowered  }
0x9b: {  	s22 =	simm.s32 $0x1BFF;
	s21 =	sshll.u32 s6, $0x1;
	s3 =	sadd.s32 s4, s19  }
0x9c: {  	s7 =	simm.s32 $0x0;
	s20 =	sshll.u32 s5, $0x1;
	s5 =	sadd.s32 s21, s3  }
0x9d: {  	[timem:s7], [sflag:s22] =	dma.local [hbm:s5], s20  }
0x9e: {  	_ =	swait.ge [sflag:s22], s20  }
0x9f: {  	s4 =	ssub.s32 $0x0, s20;
	[sflag:s22] =	ssyncset.done $0x0  }
0xa0: {  	[sflag:s22] =	ssyncadd.s32 s4;
	_ =	sdelay $0x1  }
0xa1: {  	s23 =	simm.s32 $0x1B8B  }
0xa2: {  	_ =	swait.ge [sflag:s23], $0x1  }
0xa3: {  	[sflag:s23] =	ssyncset.done $0x0  }
0xa4: {  	s25 =	simm.s32 $0x1B8E;
	s24 =	sld [smem:$0x3FFE];
	[sflag:s23] =	ssyncadd.s32 $0xFFFFFFFF  }
0xa5: {  	s26 =	simm.s32 $execute0_lowered;
	[smem:$0x3FD2] =	sst s25  }
0xa6: {  	s5 =	sshll.u32 s26, $0x1;
	_ =	strace $0x80000046;
	[dreg:$0x1] =	wrdreg $0xFFFFFFFF  }
0xa7: {  	s28 =	simm.s32 $_size_execute0_lowered;
	s3 =	sadd.s32 s3, s5;
	[dreg:$0x0] =	wrdreg $0x0  }
0xa8: {  	s5 =	sshll.u32 s28, $0x1;
	[dreg:$0x2] =	wrdreg s3  }
0xa9: {  	[dreg:$0x3] =	wrdreg s5  }
0xaa: {  	[dreg:$0x4] =	wrdreg $0xC0  }
0xab: {  	_ =	task [dreg:s7], $0x5FFFF  }
0xac: {  	[dreg:$0x1] =	wrdreg $0xFFFFFFFF  }
0xad: {  	[dreg:$0x0] =	wrdreg $0x60  }
0xae: {  	[dreg:$0x2] =	wrdreg s24  }
0xaf: {  	[dreg:$0x3] =	wrdreg s2  }
0xb0: {  	[dreg:$0x4] =	wrdreg $0x9  }
0xb1: {  	_ =	task.clear_ibuf [dreg:s7], $0x5FFFF;
	_ =	strace $0x90000046  }
0xb2: {  	s29 =	simm.s32 $0x9;
	_ =	strace $0x80000048  }
0xb3: {  	_ =	swait.ge [sflag:s29], $0x1  }
0xb4: {  	[sflag:s29] =	ssyncadd.s32 $0xFFFFFFFF  }
0xb5: {  	_ =	strace $0x90000048  }
0xb6: {  	_ =	sfence  }
0xb7: {  	s30 =	sld [smem:$0x0];
	_ =	sdelay $0x2  }
0xb8: {  	s31 =	sshll.u32 s1, $0xD;
	s1 =	sshrl.u32 s1, $0x2  }
0xb9: {  	s3 =	sand.u32 $0x4000, s31;
	s1 =	sadd.s32 s1, s30  }
0xba: {  	s0 =	sor.u32 s3, s0;
	s1 =	sshll.u32 s1, $0x11  }
0xbb: {  	s0 =	sor.u32 s1, s0  }
0xbc: {  	s0 =	sadd.s32 $0x8F2B, s0  }
0xbd: {  	[sflag:s0] =	ssyncadd.remote.s32 $0x1  }
0xbe: {  	_ =	sfence.sel $0xFFFF  }
0xbf: {  	[dreg:$0x0] =	wrdreg $0xFFFFFFFF;
	(pc) =	sbr.abs _section_cstart, $3  }
0xc0: {  	[dreg:$0x1] =	wrdreg $0xFFFFFFFF  }
0xc1: {  	_ =	task.clear_ibuf [dreg:s7], $0x2FFFF;
	_ =	strace $0x9FFFFFFF  }
0xc2: {  	(tm) =	ssettm $0x7FFFFFFF  }
0xc3: {  	_ =	shalt  }
tec
execute0_lowered:
.L_overlay_start_1:
0x0: {  	(tag) =	ssettag $0x1  }
0x1: {  	s1 =	srdreg.scid  }
0x2: {  	s10 =	rddreg [dreg:$0x0];
	s0 =	stileid.u32;
	s24 =	sand.u32 $0x1, s1  }
0x3: {  	s3 =	rddreg [dreg:$0x1];
	s5 =	sshll.u32 s0, $0xE;
	s4 =	sshll.u32 s24, $0x12  }
0x4: {  	s2 =	simm.s32 $0x0;
	s1 =	rddreg [dreg:$0x2];
	s11 =	sor.u32 s5, s4  }
0x5: {  	[smem:$0x7FF] =	sst s2;
	s4 =	sshrl.u32 s11, $0x3  }
0x6: {  	_ =	strace $0x80000047;
	s4 =	sadd.s32 s3, s4;
	s3 =	simm.s32 $0x3  }
0x7: {  	[tilespmem:s2], [sflag:$0x3] =	stream.linear.gather [hbm4b:s4+s2], $0x4000, $0x38;
	[tilespmem:$0xC000] =	vst v63  }
0x8: {  	_ =	swait.ge [sflag:s3], $0x4000  }
0x9: {  	s6 =	simm.s32 $0x800;
	[sflag:s3] =	ssyncset.done $0x0  }
0xa: {  	s7 =	simm.s32 $0x4000;
	s5 =	sadd.s32 $0x2E00, s10;
	[sflag:s3] =	ssyncadd.s32 $0xFFFFC000  }
0xb: {  	[tilespmem:s7], [sflag:$0x1] =	stream.indirect.gather [hbm4b:s5+s6], $0x8, s2, s6, $0xb8;
	[tilespmem:$0xC000] =	vst v63  }
0xc: {  	s8 =	simm.s32 $0x8000;
	s9 =	simm.s32 $0x1  }
0xd: {  	[tilespmem:s8], [sflag:$0x2] =	stream.indirect.gather [hbm4b:s5+s6], $0x8, s6, s6, $0xb8;
	[tilespmem:$0xC000] =	vst v63  }
0xe: {  	_ =	swait.ge [sflag:s9], $0x4000  }
0xf: {  	s25 =	sadd.s32 s11, s10;
	[sflag:s9] =	ssyncset.done $0x0  }
0x10: {  	s10 =	sadd.s32 $0x6E00, s25;
	[sflag:s9] =	ssyncadd.s32 $0xFFFFC000  }
0x11: {  	[hbm4b:s10+s2] =	stream.linear.scatter [tilespmem:s7], [sflag:$0x3], $0x4000, $0x38;
	[tilespmem:$0xC000] =	vst v63  }
0x12: {  	_ =	swait.ge [sflag:s3], $0x4000  }
0x13: {  	[sflag:s3] =	ssyncset.done $0x0  }
0x14: {  	s12 =	simm.s32 $0x2;
	s11 =	simm.s32 $0x1000;
	[sflag:s3] =	ssyncadd.s32 $0xFFFFC000  }
0x15: {  	[tilespmem:s7], [sflag:$0x1] =	stream.indirect.gather [hbm4b:s5+s6], $0x8, s11, s6, $0xb8;
	[tilespmem:$0xC000] =	vst v63  }
0x16: {  	_ =	swait.ge [sflag:s12], $0x4000  }
0x17: {  	[sflag:s12] =	ssyncset.done $0x0  }
0x18: {  	s13 =	sadd.s32 $0x7600, s25;
	[sflag:s12] =	ssyncadd.s32 $0xFFFFC000  }
0x19: {  	[hbm4b:s13+s2] =	stream.linear.scatter [tilespmem:s8], [sflag:$0x3], $0x4000, $0x38;
	[tilespmem:$0xC000] =	vst v63  }
0x1a: {  	_ =	swait.ge [sflag:s3], $0x4000  }
0x1b: {  	[sflag:s3] =	ssyncset.done $0x0  }
0x1c: {  	s14 =	simm.s32 $0x1800;
	[sflag:s3] =	ssyncadd.s32 $0xFFFFC000  }
0x1d: {  	[tilespmem:s8], [sflag:$0x2] =	stream.indirect.gather [hbm4b:s5+s6], $0x8, s14, s6, $0xb8;
	[tilespmem:$0xC000] =	vst v63  }
0x1e: {  	_ =	swait.ge [sflag:s9], $0x4000  }
0x1f: {  	[sflag:s9] =	ssyncset.done $0x0  }
0x20: {  	s15 =	sadd.s32 $0x7E00, s25;
	[sflag:s9] =	ssyncadd.s32 $0xFFFFC000  }
0x21: {  	[hbm4b:s15+s2] =	stream.linear.scatter [tilespmem:s7], [sflag:$0x3], $0x4000, $0x38;
	[tilespmem:$0xC000] =	vst v63  }
0x22: {  	_ =	swait.ge [sflag:s3], $0x4000  }
0x23: {  	[sflag:s3] =	ssyncset.done $0x0  }
0x24: {  	s16 =	simm.s32 $0x2000;
	[sflag:s3] =	ssyncadd.s32 $0xFFFFC000  }
0x25: {  	[tilespmem:s7], [sflag:$0x1] =	stream.indirect.gather [hbm4b:s5+s6], $0x8, s16, s6, $0xb8;
	[tilespmem:$0xC000] =	vst v63  }
0x26: {  	_ =	swait.ge [sflag:s12], $0x4000  }
0x27: {  	[sflag:s12] =	ssyncset.done $0x0  }
0x28: {  	s17 =	sadd.s32 $0x8600, s25;
	[sflag:s12] =	ssyncadd.s32 $0xFFFFC000  }
0x29: {  	[hbm4b:s17+s2] =	stream.linear.scatter [tilespmem:s8], [sflag:$0x3], $0x4000, $0x38;
	[tilespmem:$0xC000] =	vst v63  }
0x2a: {  	_ =	swait.ge [sflag:s3], $0x4000  }
0x2b: {  	[sflag:s3] =	ssyncset.done $0x0  }
0x2c: {  	s18 =	simm.s32 $0x2800;
	[sflag:s3] =	ssyncadd.s32 $0xFFFFC000  }
0x2d: {  	[tilespmem:s8], [sflag:$0x2] =	stream.indirect.gather [hbm4b:s5+s6], $0x8, s18, s6, $0xb8;
	[tilespmem:$0xC000] =	vst v63  }
0x2e: {  	_ =	swait.ge [sflag:s9], $0x4000  }
0x2f: {  	[sflag:s9] =	ssyncset.done $0x0  }
0x30: {  	s19 =	sadd.s32 $0x8E00, s25;
	[sflag:s9] =	ssyncadd.s32 $0xFFFFC000  }
0x31: {  	[hbm4b:s19+s2] =	stream.linear.scatter [tilespmem:s7], [sflag:$0x3], $0x4000, $0x38;
	[tilespmem:$0xC000] =	vst v63  }
0x32: {  	_ =	swait.ge [sflag:s3], $0x4000  }
0x33: {  	[sflag:s3] =	ssyncset.done $0x0  }
0x34: {  	s20 =	simm.s32 $0x3000;
	[sflag:s3] =	ssyncadd.s32 $0xFFFFC000  }
0x35: {  	[tilespmem:s7], [sflag:$0x1] =	stream.indirect.gather [hbm4b:s5+s6], $0x8, s20, s6, $0xb8;
	[tilespmem:$0xC000] =	vst v63  }
0x36: {  	_ =	swait.ge [sflag:s12], $0x4000  }
0x37: {  	[sflag:s12] =	ssyncset.done $0x0  }
0x38: {  	s21 =	sadd.s32 $0x9600, s25;
	[sflag:s12] =	ssyncadd.s32 $0xFFFFC000  }
0x39: {  	[hbm4b:s21+s2] =	stream.linear.scatter [tilespmem:s8], [sflag:$0x3], $0x4000, $0x38;
	[tilespmem:$0xC000] =	vst v63  }
0x3a: {  	_ =	swait.ge [sflag:s3], $0x4000  }
0x3b: {  	[sflag:s3] =	ssyncset.done $0x0  }
0x3c: {  	s22 =	simm.s32 $0x3800;
	[sflag:s3] =	ssyncadd.s32 $0xFFFFC000  }
0x3d: {  	[tilespmem:s8], [sflag:$0x2] =	stream.indirect.gather [hbm4b:s5+s6], $0x8, s22, s6, $0xb8;
	[tilespmem:$0xC000] =	vst v63  }
0x3e: {  	_ =	swait.ge [sflag:s9], $0x4000  }
0x3f: {  	[sflag:s9] =	ssyncset.done $0x0  }
0x40: {  	s24 =	ssub.s32 $0x2, s24;
	s23 =	sadd.s32 $0x9E00, s25;
	[sflag:s9] =	ssyncadd.s32 $0xFFFFC000  }
0x41: {  	[hbm4b:s23+s2] =	stream.linear.scatter [tilespmem:s7], [sflag:$0x3], $0x4000, $0x38;
	[tilespmem:$0xC000] =	vst v63  }
0x42: {  	s26 =	sshrl.u32 s24, $0x1;
	_ =	swait.ge [sflag:s3], $0x4000  }
0x43: {  	s24 =	ssub.s32 s24, s26;
	[sflag:s3] =	ssyncset.done $0x0  }
0x44: {  	s26 =	smax.u32 s24, $0x1;
	[sflag:s3] =	ssyncadd.s32 $0xFFFFC000  }
0x45: {  	p0 =	sne.s32 s26, $0x1;
	_ =	swait.ge [sflag:s12], $0x4000  }
.Ltmp0:
0x46: {  	[sflag:s12] =	ssyncset.done $0x0;
	(pc) =	sbr.rel @!p0 .LBB2_2-.Ltmp0, $4  }
0x47: {  	s24 =	sadd.s32 $0xA600, s25;
	[sflag:s12] =	ssyncadd.s32 $0xFFFFC000  }
0x48: {  	[hbm4b:s24+s2] =	stream.linear.scatter [tilespmem:s8], [sflag:$0x3], $0x4000, $0x38;
	[tilespmem:$0xC000] =	vst v63  }
0x49: {  	_ =	swait.ge [sflag:s3], $0x4000  }
0x4a: {  	s25 =	sadd.s32 $0xFFFFFFFF, s26;
	[sflag:s3] =	ssyncset.done $0x0  }
.LBB2_1:
0x4b: {  	p0 =	sne.s32 s25, $0x1;
	s25 =	sadd.s32 $0xFFFFFFFF, s25;
	[sflag:s3] =	ssyncadd.s32 $0xFFFFC000  }
0x4c: {  	[tilespmem:s2], [sflag:$0x3] =	stream.linear.gather [hbm4b:s4+s2], $0x4000, $0x38;
	[tilespmem:$0xC000] =	vst v63  }
0x4d: {  	_ =	swait.ge [sflag:s3], $0x4000  }
0x4e: {  	[sflag:s3] =	ssyncset.done $0x0  }
0x4f: {  	[sflag:s3] =	ssyncadd.s32 $0xFFFFC000  }
0x50: {  	[tilespmem:s7], [sflag:$0x1] =	stream.indirect.gather [hbm4b:s5+s6], $0x8, s2, s6, $0xb8;
	[tilespmem:$0xC000] =	vst v63  }
0x51: {  	_ = 	snop  }
0x52: {  	[tilespmem:s8], [sflag:$0x2] =	stream.indirect.gather [hbm4b:s5+s6], $0x8, s6, s6, $0xb8;
	[tilespmem:$0xC000] =	vst v63  }
0x53: {  	_ =	swait.ge [sflag:s9], $0x4000  }
0x54: {  	[sflag:s9] =	ssyncset.done $0x0  }
0x55: {  	[sflag:s9] =	ssyncadd.s32 $0xFFFFC000  }
0x56: {  	[hbm4b:s10+s2] =	stream.linear.scatter [tilespmem:s7], [sflag:$0x3], $0x4000, $0x38;
	[tilespmem:$0xC000] =	vst v63  }
0x57: {  	_ =	swait.ge [sflag:s3], $0x4000  }
0x58: {  	[sflag:s3] =	ssyncset.done $0x0  }
0x59: {  	[sflag:s3] =	ssyncadd.s32 $0xFFFFC000  }
0x5a: {  	[tilespmem:s7], [sflag:$0x1] =	stream.indirect.gather [hbm4b:s5+s6], $0x8, s11, s6, $0xb8;
	[tilespmem:$0xC000] =	vst v63  }
0x5b: {  	_ =	swait.ge [sflag:s12], $0x4000  }
0x5c: {  	[sflag:s12] =	ssyncset.done $0x0  }
0x5d: {  	[sflag:s12] =	ssyncadd.s32 $0xFFFFC000  }
0x5e: {  	[hbm4b:s13+s2] =	stream.linear.scatter [tilespmem:s8], [sflag:$0x3], $0x4000, $0x38;
	[tilespmem:$0xC000] =	vst v63  }
0x5f: {  	_ =	swait.ge [sflag:s3], $0x4000  }
0x60: {  	[sflag:s3] =	ssyncset.done $0x0  }
0x61: {  	[sflag:s3] =	ssyncadd.s32 $0xFFFFC000  }
0x62: {  	[tilespmem:s8], [sflag:$0x2] =	stream.indirect.gather [hbm4b:s5+s6], $0x8, s14, s6, $0xb8;
	[tilespmem:$0xC000] =	vst v63  }
0x63: {  	_ =	swait.ge [sflag:s9], $0x4000  }
0x64: {  	[sflag:s9] =	ssyncset.done $0x0  }
0x65: {  	[sflag:s9] =	ssyncadd.s32 $0xFFFFC000  }
0x66: {  	[hbm4b:s15+s2] =	stream.linear.scatter [tilespmem:s7], [sflag:$0x3], $0x4000, $0x38;
	[tilespmem:$0xC000] =	vst v63  }
0x67: {  	_ =	swait.ge [sflag:s3], $0x4000  }
0x68: {  	[sflag:s3] =	ssyncset.done $0x0  }
0x69: {  	[sflag:s3] =	ssyncadd.s32 $0xFFFFC000  }
0x6a: {  	[tilespmem:s7], [sflag:$0x1] =	stream.indirect.gather [hbm4b:s5+s6], $0x8, s16, s6, $0xb8;
	[tilespmem:$0xC000] =	vst v63  }
0x6b: {  	_ =	swait.ge [sflag:s12], $0x4000  }
0x6c: {  	[sflag:s12] =	ssyncset.done $0x0  }
0x6d: {  	[sflag:s12] =	ssyncadd.s32 $0xFFFFC000  }
0x6e: {  	[hbm4b:s17+s2] =	stream.linear.scatter [tilespmem:s8], [sflag:$0x3], $0x4000, $0x38;
	[tilespmem:$0xC000] =	vst v63  }
0x6f: {  	_ =	swait.ge [sflag:s3], $0x4000  }
0x70: {  	[sflag:s3] =	ssyncset.done $0x0  }
0x71: {  	[sflag:s3] =	ssyncadd.s32 $0xFFFFC000  }
0x72: {  	[tilespmem:s8], [sflag:$0x2] =	stream.indirect.gather [hbm4b:s5+s6], $0x8, s18, s6, $0xb8;
	[tilespmem:$0xC000] =	vst v63  }
0x73: {  	_ =	swait.ge [sflag:s9], $0x4000  }
0x74: {  	[sflag:s9] =	ssyncset.done $0x0  }
0x75: {  	[sflag:s9] =	ssyncadd.s32 $0xFFFFC000  }
0x76: {  	[hbm4b:s19+s2] =	stream.linear.scatter [tilespmem:s7], [sflag:$0x3], $0x4000, $0x38;
	[tilespmem:$0xC000] =	vst v63  }
0x77: {  	_ =	swait.ge [sflag:s3], $0x4000  }
0x78: {  	[sflag:s3] =	ssyncset.done $0x0  }
0x79: {  	[sflag:s3] =	ssyncadd.s32 $0xFFFFC000  }
0x7a: {  	[tilespmem:s7], [sflag:$0x1] =	stream.indirect.gather [hbm4b:s5+s6], $0x8, s20, s6, $0xb8;
	[tilespmem:$0xC000] =	vst v63  }
0x7b: {  	_ =	swait.ge [sflag:s12], $0x4000  }
0x7c: {  	[sflag:s12] =	ssyncset.done $0x0  }
0x7d: {  	[sflag:s12] =	ssyncadd.s32 $0xFFFFC000  }
0x7e: {  	[hbm4b:s21+s2] =	stream.linear.scatter [tilespmem:s8], [sflag:$0x3], $0x4000, $0x38;
	[tilespmem:$0xC000] =	vst v63  }
0x7f: {  	_ =	swait.ge [sflag:s3], $0x4000  }
0x80: {  	[sflag:s3] =	ssyncset.done $0x0  }
0x81: {  	[sflag:s3] =	ssyncadd.s32 $0xFFFFC000  }
0x82: {  	[tilespmem:s8], [sflag:$0x2] =	stream.indirect.gather [hbm4b:s5+s6], $0x8, s22, s6, $0xb8;
	[tilespmem:$0xC000] =	vst v63  }
0x83: {  	_ =	swait.ge [sflag:s9], $0x4000  }
0x84: {  	[sflag:s9] =	ssyncset.done $0x0  }
0x85: {  	[sflag:s9] =	ssyncadd.s32 $0xFFFFC000  }
0x86: {  	[hbm4b:s23+s2] =	stream.linear.scatter [tilespmem:s7], [sflag:$0x3], $0x4000, $0x38;
	[tilespmem:$0xC000] =	vst v63  }
0x87: {  	_ =	swait.ge [sflag:s3], $0x4000  }
0x88: {  	[sflag:s3] =	ssyncset.done $0x0  }
0x89: {  	[sflag:s3] =	ssyncadd.s32 $0xFFFFC000  }
0x8a: {  	_ =	swait.ge [sflag:s12], $0x4000  }
.Ltmp1:
0x8b: {  	[sflag:s12] =	ssyncset.done $0x0;
	(pc) =	sbr.rel @p0 .LBB2_1-.Ltmp1, $4  }
0x8c: {  	[sflag:s12] =	ssyncadd.s32 $0xFFFFC000  }
0x8d: {  	[hbm4b:s24+s2] =	stream.linear.scatter [tilespmem:s8], [sflag:$0x3], $0x4000, $0x38;
	[tilespmem:$0xC000] =	vst v63  }
0x8e: {  	_ =	swait.ge [sflag:s3], $0x4000  }
0x8f: {  	[sflag:s3] =	ssyncset.done $0x0  }
.LBB2_2:
0x90: {  	[sflag:s3] =	ssyncadd.s32 $0xFFFFC000  }
0x91: {  	_ =	sfence.sel $0x180000  }
0x92: {  	[bflag:$0x0] =	sbarrier.arrive $0xFFFF  }
0x93: {  	p0 =	sne.s32 s0, $0x0;
	_ =	strace $0x90000047  }
0x94: {  	s0 =	sadd.s32 @!p0 $0x100000, s1;
	[bflag:$0x2] =	sbarrier.arrive $0xFFFF  }
0x95: {  	[sflag:s0] =	ssyncadd.tile.s32 @!p0 $0x1;
	_ =	shalt  }
.Lfunc_end2:
_tile_overlayer_lowered:
.L_overlay_start_2:
0x96: {  	(tag) =	ssettag $0x2  }
0x97: {  	s0 =	rddreg [dreg:$0x0];
	s2 =	stileid.u32  }
0x98: {  	s1 =	rddreg [dreg:$0x1];
	p0 =	sne.s32 s2, $0x0  }
0x99: {  	s3 =	rddreg [dreg:$0x2];
	[bflag:$0x3] =	sbarrier.arrive $0xFFFF;
	s2 =	simm.s32 @!p0 $0x1C03  }
0x9a: {  	[timem:s3], [sflag:s2] =	dma.local @!p0 [hbm:s0], s1  }
0x9b: {  	s0 =	simm.s32 @!p0 $0x3  }
0x9c: {  	_ =	swait.ge @!p0 [sflag:s0], s1  }
0x9d: {  	s1 =	ssub.s32 @!p0 $0x0, s1;
	[sflag:s0] =	ssyncset.done @!p0 $0x0  }
0x9e: {  	[sflag:s0] =	ssyncadd.s32 @!p0 s1  }
0x9f: {  	[bflag:$0x3] =	sbarrier.arrive $0xFFFF  }
0xa0: {  	_ =	shalt  }

// kernel: kernel.9.cloned.1.call-start
scs
__scs_entry_jumppad:
0x0: {  	(pc) =	sbr.rel $0x88, $3  }
0x1: {  	(tag) =	ssettag $0x0;
	lr =	simm.s32 $0x1  }
0x2: {  	[smem:$0x3F98] =	sst lr;
	_ =	strace $0xD0000000  }
0x3: {  	_ = 	snop  }
0x4: {  	_ = 	snop  }
0x5: {  	_ = 	snop  }
0x6: {  	_ = 	snop  }
0x7: {  	_ = 	snop  }
__scs_overlays_trampoline_lowered:
0x8: {  	[smem:$0x3FA7] =	sst s0  }
0x9: {  	[smem:$0x3FA8] =	sst s1  }
0xa: {  	[smem:$0x3FA9] =	sst s2  }
0xb: {  	[smem:$0x3FAA] =	sst s3  }
0xc: {  	[smem:$0x3FAB] =	sst s4  }
0xd: {  	[smem:$0x3FAC] =	sst s5  }
0xe: {  	[smem:$0x3FAD] =	sst s6  }
0xf: {  	[smem:$0x3FAE] =	sst s7  }
0x10: {  	[smem:$0x3FAF] =	sst s8  }
0x11: {  	[smem:$0x3FB0] =	sst s9;
	s0 =	simm.s32 @!p0 $0x0  }
0x12: {  	s1 =	sld [smem:$0x3F96];
	s0 =	simm.s32 @p0 $0x1  }
0x13: {  	[smem:$0x3FB1] =	sst s0;
	s0 =	simm.s32 @!p1 $0x0  }
0x14: {  	s2 =	sld [smem:$0x3F95];
	s0 =	simm.s32 @p1 $0x1  }
0x15: {  	[smem:$0x3FB2] =	sst s0;
	s0 =	simm.s32 @!p2 $0x0  }
0x16: {  	s3 =	sld [smem:$0x3FDB];
	s0 =	simm.s32 @p2 $0x1  }
0x17: {  	s4 =	simm.s32 $0x1BF5;
	[smem:$0x3FB4] =	sst s0  }
0x18: {  	s0 =	sld [smem:$0x3F97];
	_ =	swait.ge [sflag:s4], $0x0  }
0x19: {  	s7 =	sld [smem:$0x3F98]  }
0x1a: {  	s8 =	sadd.s32 $0xFFFFE003, lr  }
0x1b: {  	s9 =	sadd.s32 $0xFFFFFEF7, lr;
	s5 =	simm.s32 $0xFFFFFFFF;
	p2 =	slt.u32 s8, $0xFFFFF086  }
0x1c: {  	p1 =	slt.u32 s9, $0xF7A;
	s5 =	simm.s32 @!p2 $0x0  }
0x1d: {  	s5 =	simm.s32 @p1 $0x1;
	p0 =	seq.s32 s7, s2  }
0x1e: {  	s7 =	smul.u32 @!p0 $0xF7A, s2;
	p2 =	seq.s32 @!p0 s5, $0x0  }
0x1f: {  	s9 =	smul.u32 $0xF7A, s1;
	s8 =	simm.s32 @!p0 $0x1BF5;
	p2 =	por !p2, p0  }
0x20: {  	[sflag:s8] =	ssyncset.s32 @!p0 $0xFFFFF086;
	s6 =	sadd.s32 @!p0 s3, s7;
	s7 =	simm.s32 @!p0 $0x108  }
0x21: {  	s3 =	sadd.s32 s3, s9;
	s6 =	sadd.s32 @!p0 $0x88, s6;
	s7 =	simm.s32 @p2 $0x1082  }
0x22: {  	[simem:s7], [sflag:s8] =	dma.local @!p0 [hbm:s6], $0xF7A  }
0x23: {  	s9 =	sor.u32 $0xD0000000, s2;
	s6 =	simm.s32 $0x108;
	_ =	swait.ge @!p0 [sflag:s8], $0x0  }
0x24: {  	s3 =	sadd.s32 $0x88, s3;
	s6 =	simm.s32 @!p1 $0x1082;
	[sflag:s4] =	ssyncset.s32 $0xFFFFF086  }
0x25: {  	[simem:s6], [sflag:s4] =	dma.local [hbm:s3], $0xF7A  }
0x26: {  	[smem:$0x3F98] =	sst s1;
	(tag) =	ssettag s2;
	_ =	strace s9  }
0x27: {  	s1 =	sld [smem:$0x3FA8]  }
0x28: {  	s2 =	sld [smem:$0x3FA9]  }
0x29: {  	s4 =	sld [smem:$0x3FAB]  }
0x2a: {  	p0 =	seq.s32 s5, $0x0;
	s5 =	sld [smem:$0x3FAC]  }
0x2b: {  	s6 =	sld [smem:$0x3FAD]  }
0x2c: {  	s7 =	sld [smem:$0x3FAE]  }
0x2d: {  	s3 =	simm.s32 $0x108;
	s8 =	sld [smem:$0x3FAF]  }
0x2e: {  	s3 =	simm.s32 @!p0 $0x1082;
	s9 =	sld [smem:$0x3FB0]  }
0x2f: {  	lr =	sadd.s32 s0, s3;
	s0 =	sld [smem:$0x3FA7]  }
0x30: {  	s3 =	sld [smem:$0x3FAA]  }
0x31: {  	[smem:$0x3FB3] =	sst s10  }
0x32: {  	s10 =	sld [smem:$0x3FB1];
	_ =	sdelay $0x3  }
0x33: {  	p0 =	seq.s32 s10, $0x1;
	s10 =	sld [smem:$0x3FB3];
	_ =	sdelay $0x3  }
0x34: {  	[smem:$0x3FB3] =	sst s10  }
0x35: {  	s10 =	sld [smem:$0x3FB2];
	_ =	sdelay $0x3  }
0x36: {  	p1 =	seq.s32 s10, $0x1;
	s10 =	sld [smem:$0x3FB3];
	_ =	sdelay $0x3  }
0x37: {  	[smem:$0x3FB3] =	sst s10  }
0x38: {  	s10 =	sld [smem:$0x3FB4]  }
0x39: {  	_ = 	snop;
	(pc) =	sbr.ind lr, $3  }
0x3a: {  	_ = 	snop  }
0x3b: {  	_ = 	snop  }
0x3c: {  	p2 =	seq.s32 s10, $0x1;
	s10 =	sld [smem:$0x3FB3]  }
0x3d: {  	_ =	shalt  }
0x3e: {  	_ =	shalt  }
0x3f: {  	_ =	shalt  }
0x40: {  	_ =	shalt  }
0x41: {  	_ =	shalt  }
0x42: {  	_ =	shalt  }
0x43: {  	_ =	shalt  }
0x44: {  	_ =	shalt  }
0x45: {  	_ =	shalt  }
0x46: {  	_ =	shalt  }
0x47: {  	_ =	shalt  }
0x48: {  	_ =	shalt  }
0x49: {  	_ =	shalt  }
0x4a: {  	_ =	shalt  }
0x4b: {  	_ =	shalt  }
0x4c: {  	_ =	shalt  }
0x4d: {  	_ =	shalt  }
0x4e: {  	_ =	shalt  }
0x4f: {  	_ =	shalt  }
0x50: {  	_ =	shalt  }
0x51: {  	_ =	shalt  }
0x52: {  	_ =	shalt  }
0x53: {  	_ =	shalt  }
0x54: {  	_ =	shalt  }
0x55: {  	_ =	shalt  }
0x56: {  	_ =	shalt  }
0x57: {  	_ =	shalt  }
0x58: {  	_ =	shalt  }
0x59: {  	_ =	shalt  }
0x5a: {  	_ =	shalt  }
0x5b: {  	_ =	shalt  }
0x5c: {  	_ =	shalt  }
0x5d: {  	_ =	shalt  }
0x5e: {  	_ =	shalt  }
0x5f: {  	_ =	shalt  }
0x60: {  	_ =	shalt  }
0x61: {  	_ =	shalt  }
0x62: {  	_ =	shalt  }
0x63: {  	_ =	shalt  }
0x64: {  	_ =	shalt  }
0x65: {  	_ =	shalt  }
0x66: {  	_ =	shalt  }
0x67: {  	_ =	shalt  }
0x68: {  	_ =	shalt  }
0x69: {  	_ =	shalt  }
0x6a: {  	_ =	shalt  }
0x6b: {  	_ =	shalt  }
0x6c: {  	_ =	shalt  }
0x6d: {  	_ =	shalt  }
0x6e: {  	_ =	shalt  }
0x6f: {  	_ =	shalt  }
0x70: {  	_ =	shalt  }
0x71: {  	_ =	shalt  }
0x72: {  	_ =	shalt  }
0x73: {  	_ =	shalt  }
0x74: {  	_ =	shalt  }
0x75: {  	_ =	shalt  }
0x76: {  	_ =	shalt  }
0x77: {  	_ =	shalt  }
0x78: {  	_ =	shalt  }
0x79: {  	_ =	shalt  }
0x7a: {  	_ =	shalt  }
0x7b: {  	_ =	shalt  }
0x7c: {  	_ =	shalt  }
0x7d: {  	_ =	shalt  }
0x7e: {  	_ =	shalt  }
0x7f: {  	_ =	shalt  }
0x80: {  	_ =	shalt  }
0x81: {  	_ =	shalt  }
0x82: {  	_ =	shalt  }
0x83: {  	_ =	shalt  }
0x84: {  	_ =	shalt  }
0x85: {  	_ =	shalt  }
0x86: {  	_ =	shalt  }
0x87: {  	_ =	shalt  }
.Lfunc_end0:
.L_simem_size_0:
called_computation.1_lowered:
.L_overlay_start_0:
0x88: {  	s2 =	sld [smem:$0x3FD9]  }
0x89: {  	s3 =	sld [smem:$0x3FFE];
	_ =	sdelay $0x1  }
0x8a: {  	s1 =	srdreg.scid  }
0x8b: {  	s0 =	sand.u32 $0x1, s1  }
0x8c: {  	s17 =	sshll.u32 s0, $0xA;
	s2 =	sadd.s32 s3, s2  }
0x8d: {  	s2 =	sadd.s32 s2, s17  }
0x8e: {  	[smem:$0x3FBF] =	sst s2  }
0x8f: {  	_ = 	snop  }
0x90: {  	s2 =	sld [smem:$0x3FC8];
	(tm) =	ssettm $0x1  }
0x91: {  	s18 =	sld [smem:$0x3FFB];
	_ =	sdelay $0x3  }
0x92: {  	_ =	strace s18  }
0x93: {  	s3 =	sld [smem:$0x3FFC];
	_ =	sdelay $0x3  }
0x94: {  	_ =	strace s3  }
0x95: {  	s3 =	sld [smem:$0x3FFD];
	_ =	sdelay $0x3  }
0x96: {  	_ =	strace s3  }
0x97: {  	_ =	strace $0x8FFFFFFF  }
0x98: {  	s19 =	sld [smem:$0x3FDB];
	_ =	sdelay $0x1  }
0x99: {  	s4 =	simm.s32 $_scs_section_size  }
0x9a: {  	s5 =	simm.s32 $_size__tile_overlayer_lowered;
	s6 =	simm.s32 $_tile_overlayer_lowered  }
0x9b: {  	s22 =	simm.s32 $0x1BFF;
	s21 =	sshll.u32 s6, $0x1;
	s3 =	sadd.s32 s4, s19  }
0x9c: {  	s7 =	simm.s32 $0x0;
	s20 =	sshll.u32 s5, $0x1;
	s5 =	sadd.s32 s21, s3  }
0x9d: {  	[timem:s7], [sflag:s22] =	dma.local [hbm:s5], s20  }
0x9e: {  	_ =	swait.ge [sflag:s22], s20  }
0x9f: {  	s4 =	ssub.s32 $0x0, s20;
	[sflag:s22] =	ssyncset.done $0x0  }
0xa0: {  	[sflag:s22] =	ssyncadd.s32 s4;
	_ =	sdelay $0x1  }
0xa1: {  	s23 =	simm.s32 $0x1B8B  }
0xa2: {  	_ =	swait.ge [sflag:s23], $0x1  }
0xa3: {  	[sflag:s23] =	ssyncset.done $0x0  }
0xa4: {  	s25 =	simm.s32 $0x1B8E;
	s24 =	sld [smem:$0x3FFE];
	[sflag:s23] =	ssyncadd.s32 $0xFFFFFFFF  }
0xa5: {  	s26 =	simm.s32 $execute0_lowered;
	[smem:$0x3FD2] =	sst s25  }
0xa6: {  	s5 =	sshll.u32 s26, $0x1;
	_ =	strace $0x80000049;
	[dreg:$0x1] =	wrdreg $0xFFFFFFFF  }
0xa7: {  	s28 =	simm.s32 $_size_execute0_lowered;
	s3 =	sadd.s32 s3, s5;
	[dreg:$0x0] =	wrdreg $0x0  }
0xa8: {  	s5 =	sshll.u32 s28, $0x1;
	[dreg:$0x2] =	wrdreg s3  }
0xa9: {  	[dreg:$0x3] =	wrdreg s5  }
0xaa: {  	[dreg:$0x4] =	wrdreg $0xC0  }
0xab: {  	_ =	task [dreg:s7], $0x5FFFF  }
0xac: {  	[dreg:$0x1] =	wrdreg $0xFFFFFFFF  }
0xad: {  	[dreg:$0x0] =	wrdreg $0x60  }
0xae: {  	[dreg:$0x2] =	wrdreg s24  }
0xaf: {  	[dreg:$0x3] =	wrdreg s2  }
0xb0: {  	[dreg:$0x4] =	wrdreg $0xC0000  }
0xb1: {  	[dreg:$0x5] =	wrdreg $0x9  }
0xb2: {  	_ =	task.clear_ibuf [dreg:s7], $0x6FFFF;
	_ =	strace $0x90000049  }
0xb3: {  	s29 =	simm.s32 $0x9;
	_ =	strace $0x8000004B  }
0xb4: {  	_ =	swait.ge [sflag:s29], $0x1  }
0xb5: {  	[sflag:s29] =	ssyncadd.s32 $0xFFFFFFFF  }
0xb6: {  	_ =	strace $0x9000004B  }
0xb7: {  	_ =	sfence  }
0xb8: {  	s30 =	sld [smem:$0x0];
	_ =	sdelay $0x2  }
0xb9: {  	s31 =	sshll.u32 s1, $0xD;
	s1 =	sshrl.u32 s1, $0x2  }
0xba: {  	s3 =	sand.u32 $0x4000, s31;
	s1 =	sadd.s32 s1, s30  }
0xbb: {  	s0 =	sor.u32 s3, s0;
	s1 =	sshll.u32 s1, $0x11  }
0xbc: {  	s0 =	sor.u32 s1, s0  }
0xbd: {  	s0 =	sadd.s32 $0x8F2B, s0  }
0xbe: {  	[sflag:s0] =	ssyncadd.remote.s32 $0x1  }
0xbf: {  	_ =	sfence.sel $0xFFFF  }
0xc0: {  	[dreg:$0x0] =	wrdreg $0xFFFFFFFF;
	(pc) =	sbr.abs _section_cstart, $3  }
0xc1: {  	[dreg:$0x1] =	wrdreg $0xFFFFFFFF  }
0xc2: {  	_ =	task.clear_ibuf [dreg:s7], $0x2FFFF;
	_ =	strace $0x9FFFFFFF  }
0xc3: {  	(tm) =	ssettm $0x7FFFFFFF  }
tec
execute0_lowered:
.L_overlay_start_1:
0x0: {  	(tag) =	ssettag $0x1  }
0x1: {  	s25 =	rddreg [dreg:$0x0]  }
0x2: {  	s3 =	rddreg [dreg:$0x1]  }
0x3: {  	s1 =	rddreg [dreg:$0x2]  }
0x4: {  	s2 =	srdreg.scid;
	s0 =	rddreg [dreg:$0x3]  }
0x5: {  	s28 =	stileid.u32;
	s26 =	sand.u32 $0x1, s2;
	s2 =	simm.s32 $0x0  }
0x6: {  	s5 =	sshll.u32 s28, $0xE;
	s24 =	sadd.s32 $0x82E00, s25;
	s4 =	sshll.u32 s26, $0x12  }
0x7: {  	p0 =	sne.s32 s28, $0x0;
	[smem:$0x7FF] =	sst s2;
	s4 =	sor.u32 s5, s4  }
0x8: {  	_ =	strace $0x8000004A;
	[dreg:$0x4] =	wrdreg s24;
	s6 =	sshrl.u32 s4, $0x3  }
0x9: {  	s23 =	sadd.s32 s4, s25;
	s3 =	sadd.s32 s3, s6;
	s6 =	rddreg [dreg:$0x4]  }
0xa: {  	s5 =	simm.s32 @!p0 $0x3;
	s30 =	sadd.s32 $0x2E00, s23;
	[dreg:$0x5] =	wrdreg s3  }
0xb: {  	s4 =	simm.s32 @!p0 $0x1C03;
	[dreg:$0x6] =	wrdreg s30;
	s3 =	sshrl.u32 @!p0 s1, $0x3  }
0xc: {  	[spmem:s3], [sflag:s4] =	dma.local @!p0 [hbm:s6], $0x4000  }
0xd: {  	_ =	swait.ge @!p0 [sflag:s5], $0x4000  }
0xe: {  	[sflag:s5] =	ssyncset.done @!p0 $0x0  }
0xf: {  	[sflag:s5] =	ssyncadd.s32 @!p0 $0xFFFFC000  }
0x10: {  	[bflag:$0x0] =	sbarrier.arrive $0xFFFF  }
0x11: {  	s6 =	simm.s32 $0x3;
	s7 =	rddreg [dreg:$0x5]  }
0x12: {  	[tilespmem:s2], [sflag:$0x3] =	stream.linear.gather [hbm4b:s7+s2], $0x4000, $0x38;
	[tilespmem:$0xE000] =	vst v63  }
0x13: {  	_ =	swait.ge [sflag:s6], $0x4000  }
0x14: {  	[sflag:s6] =	ssyncset.done $0x0  }
0x15: {  	s7 =	simm.s32 $0x4000;
	s8 =	rddreg [dreg:$0x6];
	[sflag:s6] =	ssyncadd.s32 $0xFFFFC000  }
0x16: {  	[tilespmem:s7], [sflag:$0x3] =	stream.linear.gather [hbm4b:s8+s2], $0x4000, $0x38;
	[tilespmem:$0xE000] =	vst v63  }
0x17: {  	_ =	swait.ge [sflag:s6], $0x4000  }
0x18: {  	[sflag:s6] =	ssyncset.done $0x0  }
0x19: {  	s8 =	simm.s32 $0x800;
	[sflag:s6] =	ssyncadd.s32 $0xFFFFC000  }
0x1a: {  	[spmem:s1] =	stream.indirect.scatter.add.f32 [tilespmem:s7], [sflag:$0x1], $0x8, s2, s8, $0xb8;
	[tilespmem:$0xE000] =	vst v63  }
0x1b: {  	s10 =	simm.s32 $0x8000;
	s9 =	sadd.s32 $0x3600, s23  }
0x1c: {  	[tilespmem:s10], [sflag:$0x3] =	stream.linear.gather [hbm4b:s9+s2], $0x4000, $0x38;
	[tilespmem:$0xE000] =	vst v63  }
0x1d: {  	_ =	swait.ge [sflag:s6], $0x4000  }
0x1e: {  	[sflag:s6] =	ssyncset.done $0x0  }
0x1f: {  	s11 =	simm.s32 $0x1;
	[sflag:s6] =	ssyncadd.s32 $0xFFFFC000  }
0x20: {  	[spmem:s1] =	stream.indirect.scatter.add.f32 [tilespmem:s10], [sflag:$0x2], $0x8, s8, s8, $0xb8;
	[tilespmem:$0xE000] =	vst v63  }
0x21: {  	_ =	swait.ge [sflag:s11], $0x4000  }
0x22: {  	[sflag:s11] =	ssyncset.done $0x0  }
0x23: {  	s12 =	sadd.s32 $0x3E00, s23;
	[sflag:s11] =	ssyncadd.s32 $0xFFFFC000  }
0x24: {  	[tilespmem:s7], [sflag:$0x3] =	stream.linear.gather [hbm4b:s12+s2], $0x4000, $0x38;
	[tilespmem:$0xE000] =	vst v63  }
0x25: {  	_ =	swait.ge [sflag:s6], $0x4000  }
0x26: {  	[sflag:s6] =	ssyncset.done $0x0  }
0x27: {  	s13 =	simm.s32 $0x1000;
	s14 =	simm.s32 $0x2;
	[sflag:s6] =	ssyncadd.s32 $0xFFFFC000  }
0x28: {  	[spmem:s1] =	stream.indirect.scatter.add.f32 [tilespmem:s7], [sflag:$0x1], $0x8, s13, s8, $0xb8;
	[tilespmem:$0xE000] =	vst v63  }
0x29: {  	_ =	swait.ge [sflag:s14], $0x4000  }
0x2a: {  	[sflag:s14] =	ssyncset.done $0x0  }
0x2b: {  	s15 =	sadd.s32 $0x4600, s23;
	[sflag:s14] =	ssyncadd.s32 $0xFFFFC000  }
0x2c: {  	[tilespmem:s10], [sflag:$0x3] =	stream.linear.gather [hbm4b:s15+s2], $0x4000, $0x38;
	[tilespmem:$0xE000] =	vst v63  }
0x2d: {  	_ =	swait.ge [sflag:s6], $0x4000  }
0x2e: {  	[sflag:s6] =	ssyncset.done $0x0  }
0x2f: {  	s16 =	simm.s32 $0x1800;
	[sflag:s6] =	ssyncadd.s32 $0xFFFFC000  }
0x30: {  	[spmem:s1] =	stream.indirect.scatter.add.f32 [tilespmem:s10], [sflag:$0x2], $0x8, s16, s8, $0xb8;
	[tilespmem:$0xE000] =	vst v63  }
0x31: {  	_ =	swait.ge [sflag:s11], $0x4000  }
0x32: {  	[sflag:s11] =	ssyncset.done $0x0  }
0x33: {  	s17 =	sadd.s32 $0x4E00, s23;
	[sflag:s11] =	ssyncadd.s32 $0xFFFFC000  }
0x34: {  	[tilespmem:s7], [sflag:$0x3] =	stream.linear.gather [hbm4b:s17+s2], $0x4000, $0x38;
	[tilespmem:$0xE000] =	vst v63  }
0x35: {  	_ =	swait.ge [sflag:s6], $0x4000  }
0x36: {  	[sflag:s6] =	ssyncset.done $0x0  }
0x37: {  	s18 =	simm.s32 $0x2000;
	[sflag:s6] =	ssyncadd.s32 $0xFFFFC000  }
0x38: {  	[spmem:s1] =	stream.indirect.scatter.add.f32 [tilespmem:s7], [sflag:$0x1], $0x8, s18, s8, $0xb8;
	[tilespmem:$0xE000] =	vst v63  }
0x39: {  	_ =	swait.ge [sflag:s14], $0x4000  }
0x3a: {  	[sflag:s14] =	ssyncset.done $0x0  }
0x3b: {  	s19 =	sadd.s32 $0x5600, s23;
	[sflag:s14] =	ssyncadd.s32 $0xFFFFC000  }
0x3c: {  	[tilespmem:s10], [sflag:$0x3] =	stream.linear.gather [hbm4b:s19+s2], $0x4000, $0x38;
	[tilespmem:$0xE000] =	vst v63  }
0x3d: {  	_ =	swait.ge [sflag:s6], $0x4000  }
0x3e: {  	[sflag:s6] =	ssyncset.done $0x0  }
0x3f: {  	s20 =	simm.s32 $0x2800;
	[sflag:s6] =	ssyncadd.s32 $0xFFFFC000  }
0x40: {  	[spmem:s1] =	stream.indirect.scatter.add.f32 [tilespmem:s10], [sflag:$0x2], $0x8, s20, s8, $0xb8;
	[tilespmem:$0xE000] =	vst v63  }
0x41: {  	_ =	swait.ge [sflag:s11], $0x4000  }
0x42: {  	[sflag:s11] =	ssyncset.done $0x0  }
0x43: {  	s21 =	sadd.s32 $0x5E00, s23;
	[sflag:s11] =	ssyncadd.s32 $0xFFFFC000  }
0x44: {  	[tilespmem:s7], [sflag:$0x3] =	stream.linear.gather [hbm4b:s21+s2], $0x4000, $0x38;
	[tilespmem:$0xE000] =	vst v63  }
0x45: {  	_ =	swait.ge [sflag:s6], $0x4000  }
0x46: {  	[sflag:s6] =	ssyncset.done $0x0  }
0x47: {  	s22 =	simm.s32 $0x3000;
	[sflag:s6] =	ssyncadd.s32 $0xFFFFC000  }
0x48: {  	[spmem:s1] =	stream.indirect.scatter.add.f32 [tilespmem:s7], [sflag:$0x1], $0x8, s22, s8, $0xb8;
	[tilespmem:$0xE000] =	vst v63  }
0x49: {  	_ =	swait.ge [sflag:s14], $0x4000  }
0x4a: {  	s29 =	sshll.u32 s26, $0x11;
	[sflag:s14] =	ssyncset.done $0x0  }
0x4b: {  	s23 =	sadd.s32 $0x6600, s23;
	s30 =	sshll.u32 s28, $0xD;
	[sflag:s14] =	ssyncadd.s32 $0xFFFFC000  }
0x4c: {  	[tilespmem:s10], [sflag:$0x3] =	stream.linear.gather [hbm4b:s23+s2], $0x4000, $0x38;
	[tilespmem:$0xE000] =	vst v63  }
0x4d: {  	s26 =	ssub.s32 $0x2, s26;
	s29 =	sor.u32 s30, s29;
	_ =	swait.ge [sflag:s6], $0x4000  }
0x4e: {  	s24 =	simm.s32 $0x3800;
	s29 =	sshrl.u32 s29, $0x3;
	[sflag:s6] =	ssyncset.done $0x0  }
0x4f: {  	s25 =	sadd.s32 s29, s25;
	s29 =	sshrl.u32 s26, $0x1;
	[sflag:s6] =	ssyncadd.s32 $0xFFFFC000  }
0x50: {  	[spmem:s1] =	stream.indirect.scatter.add.f32 [tilespmem:s10], [sflag:$0x2], $0x8, s24, s8, $0xb8;
	[tilespmem:$0xE000] =	vst v63  }
0x51: {  	s26 =	ssub.s32 s26, s29;
	s29 =	sadd.s32 s30, s1;
	_ =	swait.ge [sflag:s11], $0x4000  }
0x52: {  	s31 =	smax.u32 s26, $0x1;
	s26 =	sshrl.u32 s29, $0x3;
	[sflag:s11] =	ssyncset.done $0x0  }
0x53: {  	s29 =	sshll.u32 s28, $0x6;
	s28 =	sadd.s32 $0xFFFFFFFF, s31;
	[sflag:s11] =	ssyncadd.s32 $0xFFFFC000  }
0x54: {  	p1 =	sne.s32 s28, $0x0;
	_ =	swait.ge [sflag:s14], $0x4000  }
.Ltmp0:
0x55: {  	[sflag:s14] =	ssyncset.done $0x0;
	(pc) =	sbr.rel @!p1 .LBB2_2-.Ltmp0, $4  }
0x56: {  	[sflag:s14] =	ssyncadd.s32 $0xFFFFC000  }
0x57: {  	s25 =	sadd.s32 $0x86E00, s25;
	s29 =	sor.u32 $0x1C03, s29;
	[bflag:$0x0] =	sbarrier.arrive $0xFFFF  }
0x58: {  	[hbm:s25], [sflag:s29] =	dma.local [spmem:s26], $0x400  }
0x59: {  	_ =	swait.ge [sflag:s6], $0x400  }
.LBB2_1:
0x5a: {  	[sflag:s6] =	ssyncset.done $0x0  }
0x5b: {  	s30 =	rddreg [dreg:$0x4];
	[sflag:s6] =	ssyncadd.s32 $0xFFFFFC00  }
0x5c: {  	[spmem:s3], [sflag:s4] =	dma.local @!p0 [hbm:s30], $0x4000  }
0x5d: {  	_ =	swait.ge @!p0 [sflag:s5], $0x4000  }
0x5e: {  	[sflag:s5] =	ssyncset.done @!p0 $0x0  }
0x5f: {  	[sflag:s5] =	ssyncadd.s32 @!p0 $0xFFFFC000  }
0x60: {  	[bflag:$0x0] =	sbarrier.arrive $0xFFFF  }
0x61: {  	s31 =	rddreg [dreg:$0x5]  }
0x62: {  	[tilespmem:s2], [sflag:$0x3] =	stream.linear.gather [hbm4b:s31+s2], $0x4000, $0x38;
	[tilespmem:$0xE000] =	vst v63  }
0x63: {  	_ =	swait.ge [sflag:s6], $0x4000  }
0x64: {  	[sflag:s6] =	ssyncset.done $0x0  }
0x65: {  	s31 =	rddreg [dreg:$0x6];
	[sflag:s6] =	ssyncadd.s32 $0xFFFFC000  }
0x66: {  	[tilespmem:s7], [sflag:$0x3] =	stream.linear.gather [hbm4b:s31+s2], $0x4000, $0x38;
	[tilespmem:$0xE000] =	vst v63  }
0x67: {  	_ =	swait.ge [sflag:s6], $0x4000  }
0x68: {  	[sflag:s6] =	ssyncset.done $0x0  }
0x69: {  	[sflag:s6] =	ssyncadd.s32 $0xFFFFC000  }
0x6a: {  	[spmem:s1] =	stream.indirect.scatter.add.f32 [tilespmem:s7], [sflag:$0x1], $0x8, s2, s8, $0xb8;
	[tilespmem:$0xE000] =	vst v63  }
0x6b: {  	_ = 	snop  }
0x6c: {  	[tilespmem:s10], [sflag:$0x3] =	stream.linear.gather [hbm4b:s9+s2], $0x4000, $0x38;
	[tilespmem:$0xE000] =	vst v63  }
0x6d: {  	_ =	swait.ge [sflag:s6], $0x4000  }
0x6e: {  	[sflag:s6] =	ssyncset.done $0x0  }
0x6f: {  	[sflag:s6] =	ssyncadd.s32 $0xFFFFC000  }
0x70: {  	[spmem:s1] =	stream.indirect.scatter.add.f32 [tilespmem:s10], [sflag:$0x2], $0x8, s8, s8, $0xb8;
	[tilespmem:$0xE000] =	vst v63  }
0x71: {  	_ =	swait.ge [sflag:s11], $0x4000  }
0x72: {  	[sflag:s11] =	ssyncset.done $0x0  }
0x73: {  	[sflag:s11] =	ssyncadd.s32 $0xFFFFC000  }
0x74: {  	[tilespmem:s7], [sflag:$0x3] =	stream.linear.gather [hbm4b:s12+s2], $0x4000, $0x38;
	[tilespmem:$0xE000] =	vst v63  }
0x75: {  	_ =	swait.ge [sflag:s6], $0x4000  }
0x76: {  	[sflag:s6] =	ssyncset.done $0x0  }
0x77: {  	[sflag:s6] =	ssyncadd.s32 $0xFFFFC000  }
0x78: {  	[spmem:s1] =	stream.indirect.scatter.add.f32 [tilespmem:s7], [sflag:$0x1], $0x8, s13, s8, $0xb8;
	[tilespmem:$0xE000] =	vst v63  }
0x79: {  	_ =	swait.ge [sflag:s14], $0x4000  }
0x7a: {  	[sflag:s14] =	ssyncset.done $0x0  }
0x7b: {  	[sflag:s14] =	ssyncadd.s32 $0xFFFFC000  }
0x7c: {  	[tilespmem:s10], [sflag:$0x3] =	stream.linear.gather [hbm4b:s15+s2], $0x4000, $0x38;
	[tilespmem:$0xE000] =	vst v63  }
0x7d: {  	_ =	swait.ge [sflag:s6], $0x4000  }
0x7e: {  	[sflag:s6] =	ssyncset.done $0x0  }
0x7f: {  	[sflag:s6] =	ssyncadd.s32 $0xFFFFC000  }
0x80: {  	[spmem:s1] =	stream.indirect.scatter.add.f32 [tilespmem:s10], [sflag:$0x2], $0x8, s16, s8, $0xb8;
	[tilespmem:$0xE000] =	vst v63  }
0x81: {  	_ =	swait.ge [sflag:s11], $0x4000  }
0x82: {  	[sflag:s11] =	ssyncset.done $0x0  }
0x83: {  	[sflag:s11] =	ssyncadd.s32 $0xFFFFC000  }
0x84: {  	[tilespmem:s7], [sflag:$0x3] =	stream.linear.gather [hbm4b:s17+s2], $0x4000, $0x38;
	[tilespmem:$0xE000] =	vst v63  }
0x85: {  	_ =	swait.ge [sflag:s6], $0x4000  }
0x86: {  	[sflag:s6] =	ssyncset.done $0x0  }
0x87: {  	[sflag:s6] =	ssyncadd.s32 $0xFFFFC000  }
0x88: {  	[spmem:s1] =	stream.indirect.scatter.add.f32 [tilespmem:s7], [sflag:$0x1], $0x8, s18, s8, $0xb8;
	[tilespmem:$0xE000] =	vst v63  }
0x89: {  	_ =	swait.ge [sflag:s14], $0x4000  }
0x8a: {  	[sflag:s14] =	ssyncset.done $0x0  }
0x8b: {  	[sflag:s14] =	ssyncadd.s32 $0xFFFFC000  }
0x8c: {  	[tilespmem:s10], [sflag:$0x3] =	stream.linear.gather [hbm4b:s19+s2], $0x4000, $0x38;
	[tilespmem:$0xE000] =	vst v63  }
0x8d: {  	_ =	swait.ge [sflag:s6], $0x4000  }
0x8e: {  	[sflag:s6] =	ssyncset.done $0x0  }
0x8f: {  	[sflag:s6] =	ssyncadd.s32 $0xFFFFC000  }
0x90: {  	[spmem:s1] =	stream.indirect.scatter.add.f32 [tilespmem:s10], [sflag:$0x2], $0x8, s20, s8, $0xb8;
	[tilespmem:$0xE000] =	vst v63  }
0x91: {  	_ =	swait.ge [sflag:s11], $0x4000  }
0x92: {  	[sflag:s11] =	ssyncset.done $0x0  }
0x93: {  	[sflag:s11] =	ssyncadd.s32 $0xFFFFC000  }
0x94: {  	[tilespmem:s7], [sflag:$0x3] =	stream.linear.gather [hbm4b:s21+s2], $0x4000, $0x38;
	[tilespmem:$0xE000] =	vst v63  }
0x95: {  	_ =	swait.ge [sflag:s6], $0x4000  }
0x96: {  	[sflag:s6] =	ssyncset.done $0x0  }
0x97: {  	[sflag:s6] =	ssyncadd.s32 $0xFFFFC000  }
0x98: {  	[spmem:s1] =	stream.indirect.scatter.add.f32 [tilespmem:s7], [sflag:$0x1], $0x8, s22, s8, $0xb8;
	[tilespmem:$0xE000] =	vst v63  }
0x99: {  	_ =	swait.ge [sflag:s14], $0x4000  }
0x9a: {  	[sflag:s14] =	ssyncset.done $0x0  }
0x9b: {  	[sflag:s14] =	ssyncadd.s32 $0xFFFFC000  }
0x9c: {  	[tilespmem:s10], [sflag:$0x3] =	stream.linear.gather [hbm4b:s23+s2], $0x4000, $0x38;
	[tilespmem:$0xE000] =	vst v63  }
0x9d: {  	_ =	swait.ge [sflag:s6], $0x4000  }
0x9e: {  	[sflag:s6] =	ssyncset.done $0x0  }
0x9f: {  	[sflag:s6] =	ssyncadd.s32 $0xFFFFC000  }
0xa0: {  	[spmem:s1] =	stream.indirect.scatter.add.f32 [tilespmem:s10], [sflag:$0x2], $0x8, s24, s8, $0xb8;
	[tilespmem:$0xE000] =	vst v63  }
0xa1: {  	_ =	swait.ge [sflag:s11], $0x4000  }
0xa2: {  	[sflag:s11] =	ssyncset.done $0x0  }
0xa3: {  	s28 =	sadd.s32 $0xFFFFFFFF, s28;
	[sflag:s11] =	ssyncadd.s32 $0xFFFFC000  }
0xa4: {  	p1 =	sne.s32 s28, $0x0;
	_ =	swait.ge [sflag:s14], $0x4000  }
.Ltmp1:
0xa5: {  	[sflag:s14] =	ssyncset.done $0x0;
	(pc) =	sbr.rel @p1 .LBB2_1-.Ltmp1, $4  }
0xa6: {  	[sflag:s14] =	ssyncadd.s32 $0xFFFFC000  }
0xa7: {  	[bflag:$0x0] =	sbarrier.arrive $0xFFFF  }
0xa8: {  	[hbm:s25], [sflag:s29] =	dma.local [spmem:s26], $0x400  }
0xa9: {  	_ =	swait.ge [sflag:s6], $0x400  }
.LBB2_2:
0xaa: {  	[sflag:s6] =	ssyncset.done $0x0  }
0xab: {  	[sflag:s6] =	ssyncadd.s32 $0xFFFFFC00  }
0xac: {  	_ =	sfence.sel $0x180000  }
0xad: {  	[bflag:$0x0] =	sbarrier.arrive $0xFFFF  }
0xae: {  	_ =	strace $0x9000004A  }
0xaf: {  	s0 =	sadd.s32 @!p0 $0x100000, s0;
	[bflag:$0x2] =	sbarrier.arrive $0xFFFF  }
0xb0: {  	[sflag:s0] =	ssyncadd.tile.s32 @!p0 $0x1;
	_ =	shalt  }
.Lfunc_end2:
_tile_overlayer_lowered:
.L_overlay_start_2:
0xb1: {  	(tag) =	ssettag $0x2  }
0xb2: {  	s0 =	rddreg [dreg:$0x0];
	s2 =	stileid.u32  }
0xb3: {  	s1 =	rddreg [dreg:$0x1];
	p0 =	sne.s32 s2, $0x0  }
0xb4: {  	s3 =	rddreg [dreg:$0x2];
	[bflag:$0x3] =	sbarrier.arrive $0xFFFF;
	s2 =	simm.s32 @!p0 $0x1C03  }
0xb5: {  	[timem:s3], [sflag:s2] =	dma.local @!p0 [hbm:s0], s1  }
0xb6: {  	s0 =	simm.s32 @!p0 $0x3  }
0xb7: {  	_ =	swait.ge @!p0 [sflag:s0], s1  }
0xb8: {  	s1 =	ssub.s32 @!p0 $0x0, s1;
	[sflag:s0] =	ssyncset.done @!p0 $0x0  }
0xb9: {  	[sflag:s0] =	ssyncadd.s32 @!p0 s1  }
0xba: {  	[bflag:$0x3] =	sbarrier.arrive $0xFFFF  }
0xbb: {  	_ =	shalt  }

</sc_bundles>
